<compile_context>
chip_gen: v7x
topology: tpu7x:2x2x1
jax: 0.10.2.dev20260603
libtpu: 0.0.44.dev20260713+nightly
codegen_flags: <defaults>
</compile_context>

<pallas_src>
import functools

import jax
import jax.numpy as jnp
from jax import lax
from jax.experimental import pallas as pl
from jax.experimental.pallas import tpu as pltpu
from jax.experimental.pallas import tpu_sc as plsc

N = 10000
E = 320000
D = 128

NC = 2
NS = 16
L = 16
NW = NC * NS

CHUNK = 128
NCHW = 80
EP = NW * NCHW * CHUNK
TOTCH = EP // CHUNK
NPAD = 10112
RPS = NPAD // NS
ZR = RPS // 4

_mesh = plsc.VectorSubcoreMesh(core_axis_name="c", subcore_axis_name="s")


def _take(x, idx):
    return jnp.take_along_axis(x, idx, axis=0, mode="promise_in_bounds")


def _lrelu(t):
    return jnp.where(t > 0, t, 0.2 * t)


@functools.partial(
    pl.kernel,
    out_type=jax.ShapeDtypeStruct((NC, NPAD, 80), jnp.float32),
    mesh=_mesh,
    compiler_params=pltpu.CompilerParams(use_tc_tiling_on_sc=False),
    scratch_types=[
        pltpu.VMEM((NCHW, CHUNK), jnp.int32),
        pltpu.VMEM((NCHW, CHUNK), jnp.int32),
        pltpu.VMEM((CHUNK, 80), jnp.float32),
        pltpu.VMEM((CHUNK, 16), jnp.float32),
        pltpu.VMEM((16,), jnp.float32),
        pltpu.VMEM((ZR, 80), jnp.float32),
        pltpu.MemorySpace.VMEM_SHARED((NPAD, 80), jnp.float32),
        pltpu.SemaphoreType.DMA,
        pltpu.SemaphoreType.DMA,
    ],
)
def _sc_layer1(htab, satab, sidx, didx, cvec, part,
               idx_s, idx_d, rows, dsa, cbuf, zbuf, accum, sem1, sem2):
    cid = lax.axis_index("c")
    sid = lax.axis_index("s")
    wid = cid * NS + sid

    zero16 = jnp.zeros((L,), jnp.float32)
    iota = jax.lax.iota(jnp.int32, L)
    idx_lo = iota & 7
    idx_hi = idx_lo + 8

    def _zrow(r, _):
        def _zcol(k, _):
            zbuf[r, pl.ds(k * L, L)] = zero16
            return 0
        return lax.fori_loop(0, 80 // L, _zcol, 0)
    lax.fori_loop(0, ZR, _zrow, 0)
    base = sid * RPS
    for z in range(4):
        pltpu.sync_copy(zbuf, accum.at[pl.ds(base + z * ZR, ZR), :])

    pltpu.sync_copy(cvec, cbuf)
    pltpu.sync_copy(sidx.at[pl.ds(wid * NCHW, NCHW), :], idx_s)
    pltpu.sync_copy(didx.at[pl.ds(wid * NCHW, NCHW), :], idx_d)
    creg = cbuf[...]

    plsc.subcore_barrier()

    def _chunk(j, _):
        g1 = pltpu.async_copy(htab.at[idx_s.at[j]], rows, sem1)
        g2 = pltpu.async_copy(satab.at[idx_d.at[j]], dsa, sem2)
        g1.wait()
        g2.wait()

        def _edge(e, _):
            st = rows[e, pl.ds(64, L)]
            dt = dsa[e, :]
            t = _take(st, idx_lo) + _take(dt, idx_hi)
            w2 = jnp.exp(_lrelu(t) - creg)
            rows[e, pl.ds(64, L)] = w2
            for k in range(4):
                wk = _take(w2, (iota >> 3) + 2 * k)
                rows[e, pl.ds(k * L, L)] = rows[e, pl.ds(k * L, L)] * wk
            return 0

        lax.fori_loop(0, CHUNK, _edge, 0)
        pltpu.sync_copy(rows, accum.at[idx_d.at[j]], add=True)
        return 0

    lax.fori_loop(0, NCHW, _chunk, 0)

    plsc.subcore_barrier()
    pltpu.sync_copy(accum.at[pl.ds(base, RPS), :],
                    part.at[cid, pl.ds(base, RPS), :])


@functools.partial(
    pl.kernel,
    out_type=jax.ShapeDtypeStruct((NC, NPAD, 16), jnp.float32),
    mesh=_mesh,
    compiler_params=pltpu.CompilerParams(use_tc_tiling_on_sc=False),
    scratch_types=[
        pltpu.VMEM((NCHW, CHUNK), jnp.int32),
        pltpu.VMEM((NCHW, CHUNK), jnp.int32),
        pltpu.VMEM((CHUNK, 16), jnp.float32),
        pltpu.VMEM((CHUNK, 16), jnp.float32),
        pltpu.VMEM((16,), jnp.float32),
        pltpu.VMEM((ZR, 16), jnp.float32),
        pltpu.MemorySpace.VMEM_SHARED((NPAD, 16), jnp.float32),
        pltpu.SemaphoreType.DMA,
        pltpu.SemaphoreType.DMA,
    ],
)
def _sc_layer2(tab2, sidx, didx, cvec, part,
               idx_s, idx_d, rows, dsa, cbuf, zbuf, accum, sem1, sem2):
    cid = lax.axis_index("c")
    sid = lax.axis_index("s")
    wid = cid * NS + sid

    zero16 = jnp.zeros((L,), jnp.float32)
    one16 = jnp.ones((L,), jnp.float32)
    iota = jax.lax.iota(jnp.int32, L)
    idx7 = jnp.full((L,), 7, jnp.int32)
    idx8 = jnp.full((L,), 8, jnp.int32)

    def _zrow(r, _):
        zbuf[r, :] = zero16
        return 0
    lax.fori_loop(0, ZR, _zrow, 0)
    base = sid * RPS
    for z in range(4):
        pltpu.sync_copy(zbuf, accum.at[pl.ds(base + z * ZR, ZR), :])

    pltpu.sync_copy(cvec, cbuf)
    pltpu.sync_copy(sidx.at[pl.ds(wid * NCHW, NCHW), :], idx_s)
    pltpu.sync_copy(didx.at[pl.ds(wid * NCHW, NCHW), :], idx_d)
    creg = cbuf[...]

    plsc.subcore_barrier()

    def _chunk(j, _):
        g1 = pltpu.async_copy(tab2.at[idx_s.at[j]], rows, sem1)
        g2 = pltpu.async_copy(tab2.at[idx_d.at[j]], dsa, sem2)
        g1.wait()
        g2.wait()

        def _edge(e, _):
            s = rows[e, :]
            d = dsa[e, :]
            t = _take(s, idx7) + _take(d, idx8)
            w = jnp.exp(_lrelu(t) - creg)
            sel = jnp.where(iota == 7, one16,
                            jnp.where(iota >= 8, zero16, s))
            rows[e, :] = w * sel
            return 0

        lax.fori_loop(0, CHUNK, _edge, 0)
        pltpu.sync_copy(rows, accum.at[idx_d.at[j]], add=True)
        return 0

    lax.fori_loop(0, NCHW, _chunk, 0)

    plsc.subcore_barrier()
    pltpu.sync_copy(accum.at[pl.ds(base, RPS), :],
                    part.at[cid, pl.ds(base, RPS), :])


_R1 = 1000
_G = N // _R1


def _k1_body(x_ref, w1_ref, a1s_ref, a1d_ref, htab_ref, satab_ref, mx_ref):
    h = jnp.dot(x_ref[...], w1_ref[...])
    as_ = jnp.dot(h, a1s_ref[...])
    ad_ = jnp.dot(h, a1d_ref[...])
    htab_ref[:, 0:64] = h
    htab_ref[:, 64:72] = as_
    htab_ref[:, 72:80] = ad_
    satab_ref[:, 0:8] = as_
    satab_ref[:, 8:16] = ad_
    m_as = jnp.max(as_, axis=0)
    m_ad = jnp.max(ad_, axis=0)
    mx_ref[...] = jnp.concatenate([m_as, m_ad]).reshape(1, 1, 16)


def _k1(x, W1, A1s, A1d):
    return pl.pallas_call(
        _k1_body,
        grid=(_G,),
        in_specs=[
            pl.BlockSpec((_R1, D), lambda i: (i, 0)),
            pl.BlockSpec((D, 64), lambda i: (0, 0)),
            pl.BlockSpec((64, 8), lambda i: (0, 0)),
            pl.BlockSpec((64, 8), lambda i: (0, 0)),
        ],
        out_specs=[
            pl.BlockSpec((_R1, 80), lambda i: (i, 0)),
            pl.BlockSpec((_R1, 16), lambda i: (i, 0)),
            pl.BlockSpec((1, 1, 16), lambda i: (i, 0, 0)),
        ],
        out_shape=[
            jax.ShapeDtypeStruct((N, 80), jnp.float32),
            jax.ShapeDtypeStruct((N, 16), jnp.float32),
            jax.ShapeDtypeStruct((_G, 1, 16), jnp.float32),
        ],
    )(x, W1, A1s, A1d)


def _k2_body(p0_ref, p1_ref, htab_ref, c1_ref, w2_ref, a2s_ref, a2d_ref,
             b1_ref, r8_ref, tab2_ref, mx_ref):
    ht = htab_ref[...]
    h = ht[:, 0:64]
    as_ = ht[:, 64:72]
    ad_ = ht[:, 72:80]
    c1 = c1_ref[...][:, 0:8]
    ws = jnp.exp(_lrelu(as_ + ad_) - c1)
    r8 = r8_ref[...]
    num = p0_ref[:, 0:64] + p1_ref[:, 0:64] + h * jnp.dot(ws, r8)
    den = p0_ref[:, 64:72] + p1_ref[:, 64:72] + ws + 1e-16
    h1 = num / jnp.dot(den, r8) + b1_ref[...]
    h2 = jnp.dot(h1, w2_ref[...])
    as2 = jnp.dot(h2, a2s_ref[...])
    ad2 = jnp.dot(h2, a2d_ref[...])
    tab2_ref[:, 0:7] = h2
    tab2_ref[:, 7:8] = as2
    tab2_ref[:, 8:9] = ad2
    tab2_ref[:, 9:16] = jnp.zeros_like(tab2_ref[:, 9:16])
    lane = lax.broadcasted_iota(jnp.int32, (1, 1, 16), 2)
    m = jnp.where(lane == 0, jnp.max(as2),
                  jnp.where(lane == 1, jnp.max(ad2), -1e30))
    mx_ref[...] = m


def _k2(p0, p1, htab, c1row, W2, a2sT, a2dT, b1row, R8):
    return pl.pallas_call(
        _k2_body,
        grid=(_G,),
        in_specs=[
            pl.BlockSpec((_R1, 80), lambda i: (i, 0)),
            pl.BlockSpec((_R1, 80), lambda i: (i, 0)),
            pl.BlockSpec((_R1, 80), lambda i: (i, 0)),
            pl.BlockSpec((1, 16), lambda i: (0, 0)),
            pl.BlockSpec((64, 7), lambda i: (0, 0)),
            pl.BlockSpec((7, 1), lambda i: (0, 0)),
            pl.BlockSpec((7, 1), lambda i: (0, 0)),
            pl.BlockSpec((1, 64), lambda i: (0, 0)),
            pl.BlockSpec((8, 64), lambda i: (0, 0)),
        ],
        out_specs=[
            pl.BlockSpec((_R1, 16), lambda i: (i, 0)),
            pl.BlockSpec((1, 1, 16), lambda i: (i, 0, 0)),
        ],
        out_shape=[
            jax.ShapeDtypeStruct((N, 16), jnp.float32),
            jax.ShapeDtypeStruct((_G, 1, 16), jnp.float32),
        ],
    )(p0, p1, htab, c1row, W2, a2sT, a2dT, b1row, R8)


def _k3_body(p0_ref, p1_ref, tab2_ref, c2_ref, b2_ref, out_ref):
    t = tab2_ref[...]
    h2 = t[:, 0:7]
    as2 = t[:, 7:8]
    ad2 = t[:, 8:9]
    c2 = c2_ref[...][0, 0]
    ws = jnp.exp(_lrelu(as2 + ad2) - c2)
    num = p0_ref[:, 0:7] + p1_ref[:, 0:7] + h2 * ws
    den = p0_ref[:, 7:8] + p1_ref[:, 7:8] + ws + 1e-16
    z = num / den + b2_ref[...]
    zm = z - jnp.max(z, axis=1, keepdims=True)
    out_ref[...] = zm - jnp.log(jnp.sum(jnp.exp(zm), axis=1, keepdims=True))


def _k3(p0, p1, tab2, c2row, b2row):
    return pl.pallas_call(
        _k3_body,
        grid=(_G,),
        in_specs=[
            pl.BlockSpec((_R1, 16), lambda i: (i, 0)),
            pl.BlockSpec((_R1, 16), lambda i: (i, 0)),
            pl.BlockSpec((_R1, 16), lambda i: (i, 0)),
            pl.BlockSpec((1, 16), lambda i: (0, 0)),
            pl.BlockSpec((1, 7), lambda i: (0, 0)),
        ],
        out_specs=pl.BlockSpec((_R1, 7), lambda i: (i, 0)),
        out_shape=jax.ShapeDtypeStruct((N, 7), jnp.float32),
    )(p0, p1, tab2, c2row, b2row)


def kernel(x, edge_index, W1, a1_src, a1_dst, b1, W2, a2_src, a2_dst, b2):
    f32 = jnp.float32
    rows64 = jnp.arange(64)
    A1s = jnp.zeros((64, 8), f32).at[rows64, rows64 // 8].set(a1_src.reshape(64))
    A1d = jnp.zeros((64, 8), f32).at[rows64, rows64 // 8].set(a1_dst.reshape(64))
    R8 = jnp.repeat(jnp.eye(8, dtype=f32), 8, axis=1)

    src = edge_index[0]
    dst = edge_index[1]
    idt = edge_index.dtype
    srcp = jnp.concatenate([src, jnp.zeros((EP - E,), idt)]).reshape(TOTCH, CHUNK)
    dstp = jnp.concatenate([dst, jnp.full((EP - E,), N, idt)]).reshape(TOTCH, CHUNK)
    srcp = srcp.astype(jnp.int32)
    dstp = dstp.astype(jnp.int32)

    htab, satab, mx1 = _k1(x, W1, A1s, A1d)
    m1 = jnp.max(mx1.reshape(_G, 16), axis=0)
    c1 = _lrelu(m1[0:8] + m1[8:16])
    cvec1 = jnp.concatenate([c1, c1])
    part1 = _sc_layer1(htab, satab, srcp, dstp, cvec1)
    tab2, mx2 = _k2(part1[0], part1[1], htab, cvec1.reshape(1, 16),
                    W2, a2_src.reshape(7, 1), a2_dst.reshape(7, 1),
                    b1.reshape(1, 64), R8)

    m2 = jnp.max(mx2.reshape(_G, 16), axis=0)
    c2 = _lrelu(m2[0] + m2[1])
    cvec2 = jnp.full((16,), c2, f32)
    part2 = _sc_layer2(tab2, srcp, dstp, cvec2)
    return _k3(part2[0], part2[1], tab2, cvec2.reshape(1, 16),
               b2.reshape(1, 7))

# --- scband reference (transcript-rebuilt; emitter-appended) ---
"""Pipeline reference for scband-gatnet-60816736911617 (READ-ONLY COPY).

The authoritative reference and input builder live on the scoring server;
editing this copy changes nothing except your own understanding.
"""

import jax, jax.numpy as jnp
import numpy as np

N = 10000
E = 320000
D = 128


def gat_conv(x, src, dst, W, a_src, a_dst, bias, heads, out_ch):
    n = x.shape[0]
    h = (x @ W).reshape(n, heads, out_ch)
    alpha_s = jnp.sum(h * a_src[None, :, :], axis=-1)  # [n, H]
    alpha_d = jnp.sum(h * a_dst[None, :, :], axis=-1)  # [n, H]
    e = jax.nn.leaky_relu(alpha_s[src] + alpha_d[dst], 0.2)  # [e, H]
    e_max = jax.ops.segment_max(e, dst, num_segments=n)
    e_max = jax.lax.stop_gradient(e_max)
    e_exp = jnp.exp(e - e_max[dst])
    denom = jax.ops.segment_sum(e_exp, dst, num_segments=n)
    alpha = e_exp / (denom[dst] + 1e-16)
    out = jax.ops.segment_sum(h[src] * alpha[:, :, None], dst, num_segments=n)
    return out.reshape(n, heads * out_ch) + bias


def setup_inputs(seed: int = 0) -> dict:
    key = jax.random.key(seed)
    ks = jax.random.split(key, 10)
    x = jax.random.normal(ks[0], (N, D), dtype=jnp.float32)
    edge_index = jax.random.randint(ks[1], (2, E), 0, N)
    W1 = jax.random.normal(ks[2], (D, 64), dtype=jnp.float32) * 0.1
    a1_src = jax.random.normal(ks[3], (8, 8), dtype=jnp.float32) * 0.1
    a1_dst = jax.random.normal(ks[4], (8, 8), dtype=jnp.float32) * 0.1
    b1 = jnp.zeros((64,), dtype=jnp.float32)
    W2 = jax.random.normal(ks[5], (64, 7), dtype=jnp.float32) * 0.1
    a2_src = jax.random.normal(ks[6], (1, 7), dtype=jnp.float32) * 0.1
    a2_dst = jax.random.normal(ks[7], (1, 7), dtype=jnp.float32) * 0.1
    b2 = jnp.zeros((7,), dtype=jnp.float32)
    return {"x": x, "edge_index": edge_index, "W1": W1, "a1_src": a1_src, "a1_dst": a1_dst, "b1": b1, "W2": W2, "a2_src": a2_src, "a2_dst": a2_dst, "b2": b2}


def reference(x, edge_index, W1, a1_src, a1_dst, b1, W2, a2_src, a2_dst, b2):
    n = x.shape[0]
    # GATConv adds self-loops by default
    loop = jnp.arange(n, dtype=edge_index.dtype)
    src = jnp.concatenate([edge_index[0], loop])
    dst = jnp.concatenate([edge_index[1], loop])
    h1 = gat_conv(x, src, dst, W1, a1_src, a1_dst, b1, 8, 8)   # heads=8 concat -> 64
    h2 = gat_conv(h1, src, dst, W2, a2_src, a2_dst, b2, 1, 7)  # heads=1 -> 7
    return jax.nn.log_softmax(h2, axis=1)

if __name__ == "__main__":
    import jax
    _d = setup_inputs()
    print(jax.jit(kernel)(*tuple(_d.values())))

</pallas_src>

<mosaic_0001>
#map = affine_map<(d0, d1) -> (0, 0)>
#map1 = affine_map<(d0, d1) -> (0)>
#map2 = affine_map<(d0, d1) -> (0, 0, 0)>
module attributes {stable_mosaic.version = 14 : i64} {
  func.func @_sc_layer1(%arg0: i32, %arg1: i32, %arg2: memref<10000x80xf32, #tpu.memory_space<hbm>>, %arg3: memref<10000x16xf32, #tpu.memory_space<hbm>>, %arg4: memref<2560x128xi32, #tpu.memory_space<hbm>>, %arg5: memref<2560x128xi32, #tpu.memory_space<hbm>>, %arg6: memref<16xf32, #tpu.memory_space<hbm>>, %arg7: memref<2x10112x80xf32, #tpu.memory_space<hbm>>, %arg8: memref<80x128xi32, #tpu.memory_space<vmem>>, %arg9: memref<80x128xi32, #tpu.memory_space<vmem>>, %arg10: memref<128x80xf32, #tpu.memory_space<vmem>>, %arg11: memref<128x16xf32, #tpu.memory_space<vmem>>, %arg12: memref<16xf32, #tpu.memory_space<vmem>>, %arg13: memref<158x80xf32, #tpu.memory_space<vmem>>, %arg14: memref<10112x80xf32, #tpu.memory_space<vmem_shared>>, %arg15: memref<!tpu.dma_semaphore, #tpu.memory_space<semaphore_mem>>, %arg16: memref<!tpu.dma_semaphore, #tpu.memory_space<semaphore_mem>>) attributes {dimension_semantics = [#tpu.dimension_semantics<core_parallel>, #tpu.dimension_semantics<subcore_parallel>], iteration_bounds = array<i64: 2, 16>, scalar_prefetch = 0 : i64, scratch_operands = 9 : i64, tpu.core_type = #tpu.core_type<sc_vector_subcore>, window_params = [{transform_indices = #map}, {transform_indices = #map}, {transform_indices = #map}, {transform_indices = #map}, {transform_indices = #map1}, {transform_indices = #map2}]} {
    %mul3A = arith.constant 16 : i32
    %mul3A_0 = arith.muli %arg0, %mul3A : i32
    %add3A = arith.addi %mul3A_0, %arg1 : i32
    %broadcast_in_dim3A = arith.constant 0.000000e+00 : f32
    %broadcast_in_dim3A_1 = vector.broadcast %broadcast_in_dim3A : f32 to vector<16xf32>
    %iota3A = tpu.iota {dimensions = array<i32: 0>} : vector<16xi32>
    %and3A = arith.constant 7 : i32
    %and3A_2 = vector.broadcast %and3A : i32 to vector<16xi32>
    %and3A_3 = arith.andi %iota3A, %and3A_2 : vector<16xi32>
    %add3A_4 = arith.constant 8 : i32
    %add3A_5 = vector.broadcast %add3A_4 : i32 to vector<16xi32>
    %add3A_6 = arith.addi %and3A_3, %add3A_5 : vector<16xi32>
    %scan3A = arith.constant 0 : i32
    %scan3A_7 = arith.constant 0 : i32
    %scan3A_8 = arith.constant 158 : i32
    %scan3A_9 = arith.addi %scan3A_7, %scan3A_8 : i32
    %scan3A_10 = arith.constant 1 : i32
    %scan3A_11 = scf.for %scan3A_37 = %scan3A_7 to %scan3A_9 step %scan3A_10 iter_args(%scan3A_38 = %scan3A) -> (i32)  : i32 {
      %scan3A_39 = arith.constant 0 : i32
      %scan3A_40 = arith.constant 0 : i32
      %scan3A_41 = arith.constant 5 : i32
      %scan3A_42 = arith.addi %scan3A_40, %scan3A_41 : i32
      %scan3A_43 = arith.constant 1 : i32
      %scan3A_44 = scf.for %scan3A_46 = %scan3A_40 to %scan3A_42 step %scan3A_43 iter_args(%scan3A_47 = %scan3A_39) -> (i32)  : i32 {
        %mul3A_48 = arith.constant 16 : i32
        %mul3A_49 = arith.muli %scan3A_46, %mul3A_48 : i32
        %swap3A = arith.index_cast %scan3A_37 : i32 to index
        %swap3A_50 = arith.index_cast %mul3A_49 : i32 to index
        %swap3A_51 = tpu.vector_load %arg13[%swap3A, %swap3A_50] {strides = array<i32>} : memref<158x80xf32, #tpu.memory_space<vmem>>, vector<1x16xf32>,
        %swap3A_52 = vector.shape_cast %swap3A_51 : vector<1x16xf32> to vector<16xf32>
        %swap3A_53 = vector.shape_cast %broadcast_in_dim3A_1 : vector<16xf32> to vector<1x16xf32>
        tpu.vector_store %arg13[%swap3A, %swap3A_50], %swap3A_53 {strides = array<i32>} : memref<158x80xf32, #tpu.memory_space<vmem>>, vector<1x16xf32>,
        %scan3A_54 = arith.constant 0 : i32
        scf.yield %scan3A_54 : i32
      }
      %scan3A_45 = arith.constant 5 : i32
      scf.yield %scan3A_44 : i32
    }
    %scan3A_12 = arith.constant 158 : i32
    %mul3A_13 = arith.constant 632 : i32
    %mul3A_14 = arith.muli %arg1, %mul3A_13 : i32
    %add3A_15 = arith.constant 0 : i32
    %add3A_16 = arith.addi %mul3A_14, %add3A_15 : i32
    "tpu.region"() ({
      %run_scoped3A = tpu.sem_alloc : memref<!tpu.dma_semaphore, #tpu.memory_space<semaphore_mem>>
      %dma_start3A = arith.constant 0 : i32
      %dma_start3A_37 = tpu.memref_slice %arg14[%add3A_16, %dma_start3A] : memref<10112x80xf32, #tpu.memory_space<vmem_shared>> -> memref<158x80xf32, #tpu.memory_space<vmem_shared>>
      %dma_start3A_38 = arith.constant 0 : i32
      %dma_start3A_39 = tpu.memref_slice %arg14[%add3A_16, %dma_start3A_38] : memref<10112x80xf32, #tpu.memory_space<vmem_shared>> -> memref<158x80xf32, #tpu.memory_space<vmem_shared>>
      tpu.enqueue_dma source(%arg13 : memref<158x80xf32, #tpu.memory_space<vmem>>) target(%dma_start3A_39 : memref<158x80xf32, #tpu.memory_space<vmem_shared>>) target_semaphore(%run_scoped3A : memref<!tpu.dma_semaphore, #tpu.memory_space<semaphore_mem>>)
      %dma_wait3A = arith.constant 0 : i32
      %dma_wait3A_40 = tpu.memref_slice %arg14[%add3A_16, %dma_wait3A] : memref<10112x80xf32, #tpu.memory_space<vmem_shared>> -> memref<158x80xf32, #tpu.memory_space<vmem_shared>>
      %dma_wait3A_41 = arith.constant 0 : i32
      %dma_wait3A_42 = tpu.memref_slice %arg14[%add3A_16, %dma_wait3A_41] : memref<10112x80xf32, #tpu.memory_space<vmem_shared>> -> memref<158x80xf32, #tpu.memory_space<vmem_shared>>
      tpu.wait_dma2 semaphore(%run_scoped3A : memref<!tpu.dma_semaphore, #tpu.memory_space<semaphore_mem>>) src(%arg13 : memref<158x80xf32, #tpu.memory_space<vmem>>) dst(%dma_wait3A_42 : memref<158x80xf32, #tpu.memory_space<vmem_shared>>)
      tpu.yield
    }) : () -> ()
    %add3A_17 = arith.constant 158 : i32
    %add3A_18 = arith.addi %mul3A_14, %add3A_17 : i32
    "tpu.region"() ({
      %run_scoped3A = tpu.sem_alloc : memref<!tpu.dma_semaphore, #tpu.memory_space<semaphore_mem>>
      %dma_start3A = arith.constant 0 : i32
      %dma_start3A_37 = tpu.memref_slice %arg14[%add3A_18, %dma_start3A] : memref<10112x80xf32, #tpu.memory_space<vmem_shared>> -> memref<158x80xf32, #tpu.memory_space<vmem_shared>>
      %dma_start3A_38 = arith.constant 0 : i32
      %dma_start3A_39 = tpu.memref_slice %arg14[%add3A_18, %dma_start3A_38] : memref<10112x80xf32, #tpu.memory_space<vmem_shared>> -> memref<158x80xf32, #tpu.memory_space<vmem_shared>>
      tpu.enqueue_dma source(%arg13 : memref<158x80xf32, #tpu.memory_space<vmem>>) target(%dma_start3A_39 : memref<158x80xf32, #tpu.memory_space<vmem_shared>>) target_semaphore(%run_scoped3A : memref<!tpu.dma_semaphore, #tpu.memory_space<semaphore_mem>>)
      %dma_wait3A = arith.constant 0 : i32
      %dma_wait3A_40 = tpu.memref_slice %arg14[%add3A_18, %dma_wait3A] : memref<10112x80xf32, #tpu.memory_space<vmem_shared>> -> memref<158x80xf32, #tpu.memory_space<vmem_shared>>
      %dma_wait3A_41 = arith.constant 0 : i32
      %dma_wait3A_42 = tpu.memref_slice %arg14[%add3A_18, %dma_wait3A_41] : memref<10112x80xf32, #tpu.memory_space<vmem_shared>> -> memref<158x80xf32, #tpu.memory_space<vmem_shared>>
      tpu.wait_dma2 semaphore(%run_scoped3A : memref<!tpu.dma_semaphore, #tpu.memory_space<semaphore_mem>>) src(%arg13 : memref<158x80xf32, #tpu.memory_space<vmem>>) dst(%dma_wait3A_42 : memref<158x80xf32, #tpu.memory_space<vmem_shared>>)
      tpu.yield
    }) : () -> ()
    %add3A_19 = arith.constant 316 : i32
    %add3A_20 = arith.addi %mul3A_14, %add3A_19 : i32
    "tpu.region"() ({
      %run_scoped3A = tpu.sem_alloc : memref<!tpu.dma_semaphore, #tpu.memory_space<semaphore_mem>>
      %dma_start3A = arith.constant 0 : i32
      %dma_start3A_37 = tpu.memref_slice %arg14[%add3A_20, %dma_start3A] : memref<10112x80xf32, #tpu.memory_space<vmem_shared>> -> memref<158x80xf32, #tpu.memory_space<vmem_shared>>
      %dma_start3A_38 = arith.constant 0 : i32
      %dma_start3A_39 = tpu.memref_slice %arg14[%add3A_20, %dma_start3A_38] : memref<10112x80xf32, #tpu.memory_space<vmem_shared>> -> memref<158x80xf32, #tpu.memory_space<vmem_shared>>
      tpu.enqueue_dma source(%arg13 : memref<158x80xf32, #tpu.memory_space<vmem>>) target(%dma_start3A_39 : memref<158x80xf32, #tpu.memory_space<vmem_shared>>) target_semaphore(%run_scoped3A : memref<!tpu.dma_semaphore, #tpu.memory_space<semaphore_mem>>)
      %dma_wait3A = arith.constant 0 : i32
      %dma_wait3A_40 = tpu.memref_slice %arg14[%add3A_20, %dma_wait3A] : memref<10112x80xf32, #tpu.memory_space<vmem_shared>> -> memref<158x80xf32, #tpu.memory_space<vmem_shared>>
      %dma_wait3A_41 = arith.constant 0 : i32
      %dma_wait3A_42 = tpu.memref_slice %arg14[%add3A_20, %dma_wait3A_41] : memref<10112x80xf32, #tpu.memory_space<vmem_shared>> -> memref<158x80xf32, #tpu.memory_space<vmem_shared>>
      tpu.wait_dma2 semaphore(%run_scoped3A : memref<!tpu.dma_semaphore, #tpu.memory_space<semaphore_mem>>) src(%arg13 : memref<158x80xf32, #tpu.memory_space<vmem>>) dst(%dma_wait3A_42 : memref<158x80xf32, #tpu.memory_space<vmem_shared>>)
      tpu.yield
    }) : () -> ()
    %add3A_21 = arith.constant 474 : i32
    %add3A_22 = arith.addi %mul3A_14, %add3A_21 : i32
    "tpu.region"() ({
      %run_scoped3A = tpu.sem_alloc : memref<!tpu.dma_semaphore, #tpu.memory_space<semaphore_mem>>
      %dma_start3A = arith.constant 0 : i32
      %dma_start3A_37 = tpu.memref_slice %arg14[%add3A_22, %dma_start3A] : memref<10112x80xf32, #tpu.memory_space<vmem_shared>> -> memref<158x80xf32, #tpu.memory_space<vmem_shared>>
      %dma_start3A_38 = arith.constant 0 : i32
      %dma_start3A_39 = tpu.memref_slice %arg14[%add3A_22, %dma_start3A_38] : memref<10112x80xf32, #tpu.memory_space<vmem_shared>> -> memref<158x80xf32, #tpu.memory_space<vmem_shared>>
      tpu.enqueue_dma source(%arg13 : memref<158x80xf32, #tpu.memory_space<vmem>>) target(%dma_start3A_39 : memref<158x80xf32, #tpu.memory_space<vmem_shared>>) target_semaphore(%run_scoped3A : memref<!tpu.dma_semaphore, #tpu.memory_space<semaphore_mem>>)
      %dma_wait3A = arith.constant 0 : i32
      %dma_wait3A_40 = tpu.memref_slice %arg14[%add3A_22, %dma_wait3A] : memref<10112x80xf32, #tpu.memory_space<vmem_shared>> -> memref<158x80xf32, #tpu.memory_space<vmem_shared>>
      %dma_wait3A_41 = arith.constant 0 : i32
      %dma_wait3A_42 = tpu.memref_slice %arg14[%add3A_22, %dma_wait3A_41] : memref<10112x80xf32, #tpu.memory_space<vmem_shared>> -> memref<158x80xf32, #tpu.memory_space<vmem_shared>>
      tpu.wait_dma2 semaphore(%run_scoped3A : memref<!tpu.dma_semaphore, #tpu.memory_space<semaphore_mem>>) src(%arg13 : memref<158x80xf32, #tpu.memory_space<vmem>>) dst(%dma_wait3A_42 : memref<158x80xf32, #tpu.memory_space<vmem_shared>>)
      tpu.yield
    }) : () -> ()
    "tpu.region"() ({
      %run_scoped3A = tpu.sem_alloc : memref<!tpu.dma_semaphore, #tpu.memory_space<semaphore_mem>>
      tpu.enqueue_dma source(%arg6 : memref<16xf32, #tpu.memory_space<hbm>>) target(%arg12 : memref<16xf32, #tpu.memory_space<vmem>>) target_semaphore(%run_scoped3A : memref<!tpu.dma_semaphore, #tpu.memory_space<semaphore_mem>>)
      tpu.wait_dma2 semaphore(%run_scoped3A : memref<!tpu.dma_semaphore, #tpu.memory_space<semaphore_mem>>) src(%arg6 : memref<16xf32, #tpu.memory_space<hbm>>) dst(%arg12 : memref<16xf32, #tpu.memory_space<vmem>>)
      tpu.yield
    }) : () -> ()
    %mul3A_23 = arith.constant 80 : i32
    %mul3A_24 = arith.muli %add3A, %mul3A_23 : i32
    "tpu.region"() ({
      %run_scoped3A = tpu.sem_alloc : memref<!tpu.dma_semaphore, #tpu.memory_space<semaphore_mem>>
      %dma_start3A = arith.constant 0 : i32
      %dma_start3A_37 = tpu.memref_slice %arg4[%mul3A_24, %dma_start3A] : memref<2560x128xi32, #tpu.memory_space<hbm>> -> memref<80x128xi32, #tpu.memory_space<hbm>>
      %dma_start3A_38 = arith.constant 0 : i32
      %dma_start3A_39 = tpu.memref_slice %arg4[%mul3A_24, %dma_start3A_38] : memref<2560x128xi32, #tpu.memory_space<hbm>> -> memref<80x128xi32, #tpu.memory_space<hbm>>
      tpu.enqueue_dma source(%dma_start3A_39 : memref<80x128xi32, #tpu.memory_space<hbm>>) target(%arg8 : memref<80x128xi32, #tpu.memory_space<vmem>>) target_semaphore(%run_scoped3A : memref<!tpu.dma_semaphore, #tpu.memory_space<semaphore_mem>>)
      %dma_wait3A = arith.constant 0 : i32
      %dma_wait3A_40 = tpu.memref_slice %arg4[%mul3A_24, %dma_wait3A] : memref<2560x128xi32, #tpu.memory_space<hbm>> -> memref<80x128xi32, #tpu.memory_space<hbm>>
      %dma_wait3A_41 = arith.constant 0 : i32
      %dma_wait3A_42 = tpu.memref_slice %arg4[%mul3A_24, %dma_wait3A_41] : memref<2560x128xi32, #tpu.memory_space<hbm>> -> memref<80x128xi32, #tpu.memory_space<hbm>>
      tpu.wait_dma2 semaphore(%run_scoped3A : memref<!tpu.dma_semaphore, #tpu.memory_space<semaphore_mem>>) src(%dma_wait3A_42 : memref<80x128xi32, #tpu.memory_space<hbm>>) dst(%arg8 : memref<80x128xi32, #tpu.memory_space<vmem>>)
      tpu.yield
    }) : () -> ()
    %mul3A_25 = arith.constant 80 : i32
    %mul3A_26 = arith.muli %add3A, %mul3A_25 : i32
    "tpu.region"() ({
      %run_scoped3A = tpu.sem_alloc : memref<!tpu.dma_semaphore, #tpu.memory_space<semaphore_mem>>
      %dma_start3A = arith.constant 0 : i32
      %dma_start3A_37 = tpu.memref_slice %arg5[%mul3A_26, %dma_start3A] : memref<2560x128xi32, #tpu.memory_space<hbm>> -> memref<80x128xi32, #tpu.memory_space<hbm>>
      %dma_start3A_38 = arith.constant 0 : i32
      %dma_start3A_39 = tpu.memref_slice %arg5[%mul3A_26, %dma_start3A_38] : memref<2560x128xi32, #tpu.memory_space<hbm>> -> memref<80x128xi32, #tpu.memory_space<hbm>>
      tpu.enqueue_dma source(%dma_start3A_39 : memref<80x128xi32, #tpu.memory_space<hbm>>) target(%arg9 : memref<80x128xi32, #tpu.memory_space<vmem>>) target_semaphore(%run_scoped3A : memref<!tpu.dma_semaphore, #tpu.memory_space<semaphore_mem>>)
      %dma_wait3A = arith.constant 0 : i32
      %dma_wait3A_40 = tpu.memref_slice %arg5[%mul3A_26, %dma_wait3A] : memref<2560x128xi32, #tpu.memory_space<hbm>> -> memref<80x128xi32, #tpu.memory_space<hbm>>
      %dma_wait3A_41 = arith.constant 0 : i32
      %dma_wait3A_42 = tpu.memref_slice %arg5[%mul3A_26, %dma_wait3A_41] : memref<2560x128xi32, #tpu.memory_space<hbm>> -> memref<80x128xi32, #tpu.memory_space<hbm>>
      tpu.wait_dma2 semaphore(%run_scoped3A : memref<!tpu.dma_semaphore, #tpu.memory_space<semaphore_mem>>) src(%dma_wait3A_42 : memref<80x128xi32, #tpu.memory_space<hbm>>) dst(%arg9 : memref<80x128xi32, #tpu.memory_space<vmem>>)
      tpu.yield
    }) : () -> ()
    %get3A = arith.constant 0 : index
    %get3A_27 = tpu.vector_load %arg12[%get3A] {strides = array<i32>} : memref<16xf32, #tpu.memory_space<vmem>>, vector<16xf32>,
    %get3A_28 = vector.shape_cast %get3A_27 : vector<16xf32> to vector<16xf32>
    %barrier3A = arith.constant 0 : index
    tpu.barrier barrier_id(%barrier3A)
    %scan3A_29 = arith.constant 0 : i32
    %scan3A_30 = arith.constant 0 : i32
    %scan3A_31 = arith.constant 80 : i32
    %scan3A_32 = arith.addi %scan3A_30, %scan3A_31 : i32
    %scan3A_33 = arith.constant 1 : i32
    %scan3A_34 = scf.for %scan3A_37 = %scan3A_30 to %scan3A_32 step %scan3A_33 iter_args(%scan3A_38 = %scan3A_29) -> (i32)  : i32 {
      %dma_start3A = arith.constant 0 : i32
      %dma_start3A_39 = tpu.memref_slice %arg8[%scan3A_37, %dma_start3A] : memref<80x128xi32, #tpu.memory_space<vmem>> -> memref<1x128xi32, #tpu.memory_space<vmem>>
      %dma_start3A_40 = tpu.memref_squeeze %dma_start3A_39 : memref<1x128xi32, #tpu.memory_space<vmem>> -> memref<128xi32, #tpu.memory_space<vmem>>
      %dma_start3A_41 = arith.constant 0 : i32
      %dma_start3A_42 = arith.constant 0 : i32
      %dma_start3A_43 = tpu.memref_slice %arg2[%dma_start3A_41, %dma_start3A_42] : memref<10000x80xf32, #tpu.memory_space<hbm>> -> memref<10000x80xf32, #tpu.memory_space<hbm>>
      tpu.enqueue_indirect_dma source(%dma_start3A_43 : memref<10000x80xf32, #tpu.memory_space<hbm>>) target(%arg10 : memref<128x80xf32, #tpu.memory_space<vmem>>) offsets(%dma_start3A_40 : memref<128xi32, #tpu.memory_space<vmem>>) semaphore(%arg15 : memref<!tpu.dma_semaphore, #tpu.memory_space<semaphore_mem>>)
      %dma_start3A_44 = arith.constant 0 : i32
      %dma_start3A_45 = tpu.memref_slice %arg9[%scan3A_37, %dma_start3A_44] : memref<80x128xi32, #tpu.memory_space<vmem>> -> memref<1x128xi32, #tpu.memory_space<vmem>>
      %dma_start3A_46 = tpu.memref_squeeze %dma_start3A_45 : memref<1x128xi32, #tpu.memory_space<vmem>> -> memref<128xi32, #tpu.memory_space<vmem>>
      %dma_start3A_47 = arith.constant 0 : i32
      %dma_start3A_48 = arith.constant 0 : i32
      %dma_start3A_49 = tpu.memref_slice %arg3[%dma_start3A_47, %dma_start3A_48] : memref<10000x16xf32, #tpu.memory_space<hbm>> -> memref<10000x16xf32, #tpu.memory_space<hbm>>
      tpu.enqueue_indirect_dma source(%dma_start3A_49 : memref<10000x16xf32, #tpu.memory_space<hbm>>) target(%arg11 : memref<128x16xf32, #tpu.memory_space<vmem>>) offsets(%dma_start3A_46 : memref<128xi32, #tpu.memory_space<vmem>>) semaphore(%arg16 : memref<!tpu.dma_semaphore, #tpu.memory_space<semaphore_mem>>)
      %dma_wait3A = arith.constant 0 : i32
      %dma_wait3A_50 = tpu.memref_slice %arg8[%scan3A_37, %dma_wait3A] : memref<80x128xi32, #tpu.memory_space<vmem>> -> memref<1x128xi32, #tpu.memory_space<vmem>>
      %dma_wait3A_51 = tpu.memref_squeeze %dma_wait3A_50 : memref<1x128xi32, #tpu.memory_space<vmem>> -> memref<128xi32, #tpu.memory_space<vmem>>
      %dma_wait3A_52 = arith.constant 0 : i32
      %dma_wait3A_53 = arith.constant 0 : i32
      %dma_wait3A_54 = tpu.memref_slice %arg2[%dma_wait3A_52, %dma_wait3A_53] : memref<10000x80xf32, #tpu.memory_space<hbm>> -> memref<10000x80xf32, #tpu.memory_space<hbm>>
      tpu.wait_indirect_dma semaphore(%arg15 : memref<!tpu.dma_semaphore, #tpu.memory_space<semaphore_mem>>) src(%dma_wait3A_54 : memref<10000x80xf32, #tpu.memory_space<hbm>>) dst(%arg10 : memref<128x80xf32, #tpu.memory_space<vmem>>)
      %dma_wait3A_55 = arith.constant 0 : i32
      %dma_wait3A_56 = tpu.memref_slice %arg9[%scan3A_37, %dma_wait3A_55] : memref<80x128xi32, #tpu.memory_space<vmem>> -> memref<1x128xi32, #tpu.memory_space<vmem>>
      %dma_wait3A_57 = tpu.memref_squeeze %dma_wait3A_56 : memref<1x128xi32, #tpu.memory_space<vmem>> -> memref<128xi32, #tpu.memory_space<vmem>>
      %dma_wait3A_58 = arith.constant 0 : i32
      %dma_wait3A_59 = arith.constant 0 : i32
      %dma_wait3A_60 = tpu.memref_slice %arg3[%dma_wait3A_58, %dma_wait3A_59] : memref<10000x16xf32, #tpu.memory_space<hbm>> -> memref<10000x16xf32, #tpu.memory_space<hbm>>
      tpu.wait_indirect_dma semaphore(%arg16 : memref<!tpu.dma_semaphore, #tpu.memory_space<semaphore_mem>>) src(%dma_wait3A_60 : memref<10000x16xf32, #tpu.memory_space<hbm>>) dst(%arg11 : memref<128x16xf32, #tpu.memory_space<vmem>>)
      %scan3A_61 = arith.constant 0 : i32
      %scan3A_62 = arith.constant 0 : i32
      %scan3A_63 = arith.constant 128 : i32
      %scan3A_64 = arith.addi %scan3A_62, %scan3A_63 : i32
      %scan3A_65 = arith.constant 1 : i32
      %scan3A_66 = scf.for %scan3A_69 = %scan3A_62 to %scan3A_64 step %scan3A_65 iter_args(%scan3A_70 = %scan3A_61) -> (i32)  : i32 {
        %get3A_71 = arith.index_cast %scan3A_69 : i32 to index
        %get3A_72 = arith.constant 64 : index
        %get3A_73 = tpu.vector_load %arg10[%get3A_71, %get3A_72] {strides = array<i32>} : memref<128x80xf32, #tpu.memory_space<vmem>>, vector<1x16xf32>,
        %get3A_74 = vector.shape_cast %get3A_73 : vector<1x16xf32> to vector<16xf32>
        %get3A_75 = arith.index_cast %scan3A_69 : i32 to index
        %get3A_76 = arith.constant 0 : index
        %get3A_77 = tpu.vector_load %arg11[%get3A_75, %get3A_76] {strides = array<i32>} : memref<128x16xf32, #tpu.memory_space<vmem>>, vector<1x16xf32>,
        %get3A_78 = vector.shape_cast %get3A_77 : vector<1x16xf32> to vector<16xf32>
        %reshape3A = vector.shape_cast %and3A_3 : vector<16xi32> to vector<16x1xi32>
        %gather3A = vector.shape_cast %reshape3A : vector<16x1xi32> to vector<16xi32>
        %gather3A_79 = tpu.dynamic_gather %get3A_74[%gather3A] in [0] : vector<16xf32>, vector<16xi32> -> vector<16xf32>
        %reshape3A_80 = vector.shape_cast %add3A_6 : vector<16xi32> to vector<16x1xi32>
        %gather3A_81 = vector.shape_cast %reshape3A_80 : vector<16x1xi32> to vector<16xi32>
        %gather3A_82 = tpu.dynamic_gather %get3A_78[%gather3A_81] in [0] : vector<16xf32>, vector<16xi32> -> vector<16xf32>
        %add3A_83 = arith.addf %gather3A_79, %gather3A_82 : vector<16xf32>
        %gt3A = arith.constant 0.000000e+00 : f32
        %gt3A_84 = vector.broadcast %gt3A : f32 to vector<16xf32>
        %gt3A_85 = arith.cmpf ogt, %add3A_83, %gt3A_84 : vector<16xf32>
        %mul3A_86 = arith.constant 2.000000e-01 : f32
        %mul3A_87 = vector.broadcast %mul3A_86 : f32 to vector<16xf32>
        %mul3A_88 = arith.mulf %mul3A_87, %add3A_83 : vector<16xf32>
        %select_n3A = arith.select %gt3A_85, %add3A_83, %mul3A_88 : vector<16xi1>, vector<16xf32>
        %sub3A = arith.subf %select_n3A, %get3A_28 : vector<16xf32>
        %exp3A = math.exp %sub3A : vector<16xf32>
        %swap3A = arith.index_cast %scan3A_69 : i32 to index
        %swap3A_89 = arith.constant 64 : index
        %swap3A_90 = tpu.vector_load %arg10[%swap3A, %swap3A_89] {strides = array<i32>} : memref<128x80xf32, #tpu.memory_space<vmem>>, vector<1x16xf32>,
        %swap3A_91 = vector.shape_cast %swap3A_90 : vector<1x16xf32> to vector<16xf32>
        %swap3A_92 = vector.shape_cast %exp3A : vector<16xf32> to vector<1x16xf32>
        tpu.vector_store %arg10[%swap3A, %swap3A_89], %swap3A_92 {strides = array<i32>} : memref<128x80xf32, #tpu.memory_space<vmem>>, vector<1x16xf32>,
        %shift_right_arithmetic3A = arith.constant 3 : i32
        %shift_right_arithmetic3A_93 = vector.broadcast %shift_right_arithmetic3A : i32 to vector<16xi32>
        %shift_right_arithmetic3A_94 = arith.shrsi %iota3A, %shift_right_arithmetic3A_93 : vector<16xi32>
        %add3A_95 = arith.constant 0 : i32
        %add3A_96 = vector.broadcast %add3A_95 : i32 to vector<16xi32>
        %add3A_97 = arith.addi %shift_right_arithmetic3A_94, %add3A_96 : vector<16xi32>
        %reshape3A_98 = vector.shape_cast %add3A_97 : vector<16xi32> to vector<16x1xi32>
        %gather3A_99 = vector.shape_cast %reshape3A_98 : vector<16x1xi32> to vector<16xi32>
        %gather3A_100 = tpu.dynamic_gather %exp3A[%gather3A_99] in [0] : vector<16xf32>, vector<16xi32> -> vector<16xf32>
        %get3A_101 = arith.index_cast %scan3A_69 : i32 to index
        %get3A_102 = arith.constant 0 : index
        %get3A_103 = tpu.vector_load %arg10[%get3A_101, %get3A_102] {strides = array<i32>} : memref<128x80xf32, #tpu.memory_space<vmem>>, vector<1x16xf32>,
        %get3A_104 = vector.shape_cast %get3A_103 : vector<1x16xf32> to vector<16xf32>
        %mul3A_105 = arith.mulf %get3A_104, %gather3A_100 : vector<16xf32>
        %swap3A_106 = arith.index_cast %scan3A_69 : i32 to index
        %swap3A_107 = arith.constant 0 : index
        %swap3A_108 = tpu.vector_load %arg10[%swap3A_106, %swap3A_107] {strides = array<i32>} : memref<128x80xf32, #tpu.memory_space<vmem>>, vector<1x16xf32>,
        %swap3A_109 = vector.shape_cast %swap3A_108 : vector<1x16xf32> to vector<16xf32>
        %swap3A_110 = vector.shape_cast %mul3A_105 : vector<16xf32> to vector<1x16xf32>
        tpu.vector_store %arg10[%swap3A_106, %swap3A_107], %swap3A_110 {strides = array<i32>} : memref<128x80xf32, #tpu.memory_space<vmem>>, vector<1x16xf32>,
        %shift_right_arithmetic3A_111 = arith.constant 3 : i32
        %shift_right_arithmetic3A_112 = vector.broadcast %shift_right_arithmetic3A_111 : i32 to vector<16xi32>
        %shift_right_arithmetic3A_113 = arith.shrsi %iota3A, %shift_right_arithmetic3A_112 : vector<16xi32>
        %add3A_114 = arith.constant 2 : i32
        %add3A_115 = vector.broadcast %add3A_114 : i32 to vector<16xi32>
        %add3A_116 = arith.addi %shift_right_arithmetic3A_113, %add3A_115 : vector<16xi32>
        %reshape3A_117 = vector.shape_cast %add3A_116 : vector<16xi32> to vector<16x1xi32>
        %gather3A_118 = vector.shape_cast %reshape3A_117 : vector<16x1xi32> to vector<16xi32>
        %gather3A_119 = tpu.dynamic_gather %exp3A[%gather3A_118] in [0] : vector<16xf32>, vector<16xi32> -> vector<16xf32>
        %get3A_120 = arith.index_cast %scan3A_69 : i32 to index
        %get3A_121 = arith.constant 16 : index
        %get3A_122 = tpu.vector_load %arg10[%get3A_120, %get3A_121] {strides = array<i32>} : memref<128x80xf32, #tpu.memory_space<vmem>>, vector<1x16xf32>,
        %get3A_123 = vector.shape_cast %get3A_122 : vector<1x16xf32> to vector<16xf32>
        %mul3A_124 = arith.mulf %get3A_123, %gather3A_119 : vector<16xf32>
        %swap3A_125 = arith.index_cast %scan3A_69 : i32 to index
        %swap3A_126 = arith.constant 16 : index
        %swap3A_127 = tpu.vector_load %arg10[%swap3A_125, %swap3A_126] {strides = array<i32>} : memref<128x80xf32, #tpu.memory_space<vmem>>, vector<1x16xf32>,
        %swap3A_128 = vector.shape_cast %swap3A_127 : vector<1x16xf32> to vector<16xf32>
        %swap3A_129 = vector.shape_cast %mul3A_124 : vector<16xf32> to vector<1x16xf32>
        tpu.vector_store %arg10[%swap3A_125, %swap3A_126], %swap3A_129 {strides = array<i32>} : memref<128x80xf32, #tpu.memory_space<vmem>>, vector<1x16xf32>,
        %shift_right_arithmetic3A_130 = arith.constant 3 : i32
        %shift_right_arithmetic3A_131 = vector.broadcast %shift_right_arithmetic3A_130 : i32 to vector<16xi32>
        %shift_right_arithmetic3A_132 = arith.shrsi %iota3A, %shift_right_arithmetic3A_131 : vector<16xi32>
        %add3A_133 = arith.constant 4 : i32
        %add3A_134 = vector.broadcast %add3A_133 : i32 to vector<16xi32>
        %add3A_135 = arith.addi %shift_right_arithmetic3A_132, %add3A_134 : vector<16xi32>
        %reshape3A_136 = vector.shape_cast %add3A_135 : vector<16xi32> to vector<16x1xi32>
        %gather3A_137 = vector.shape_cast %reshape3A_136 : vector<16x1xi32> to vector<16xi32>
        %gather3A_138 = tpu.dynamic_gather %exp3A[%gather3A_137] in [0] : vector<16xf32>, vector<16xi32> -> vector<16xf32>
        %get3A_139 = arith.index_cast %scan3A_69 : i32 to index
        %get3A_140 = arith.constant 32 : index
        %get3A_141 = tpu.vector_load %arg10[%get3A_139, %get3A_140] {strides = array<i32>} : memref<128x80xf32, #tpu.memory_space<vmem>>, vector<1x16xf32>,
        %get3A_142 = vector.shape_cast %get3A_141 : vector<1x16xf32> to vector<16xf32>
        %mul3A_143 = arith.mulf %get3A_142, %gather3A_138 : vector<16xf32>
        %swap3A_144 = arith.index_cast %scan3A_69 : i32 to index
        %swap3A_145 = arith.constant 32 : index
        %swap3A_146 = tpu.vector_load %arg10[%swap3A_144, %swap3A_145] {strides = array<i32>} : memref<128x80xf32, #tpu.memory_space<vmem>>, vector<1x16xf32>,
        %swap3A_147 = vector.shape_cast %swap3A_146 : vector<1x16xf32> to vector<16xf32>
        %swap3A_148 = vector.shape_cast %mul3A_143 : vector<16xf32> to vector<1x16xf32>
        tpu.vector_store %arg10[%swap3A_144, %swap3A_145], %swap3A_148 {strides = array<i32>} : memref<128x80xf32, #tpu.memory_space<vmem>>, vector<1x16xf32>,
        %shift_right_arithmetic3A_149 = arith.constant 3 : i32
        %shift_right_arithmetic3A_150 = vector.broadcast %shift_right_arithmetic3A_149 : i32 to vector<16xi32>
        %shift_right_arithmetic3A_151 = arith.shrsi %iota3A, %shift_right_arithmetic3A_150 : vector<16xi32>
        %add3A_152 = arith.constant 6 : i32
        %add3A_153 = vector.broadcast %add3A_152 : i32 to vector<16xi32>
        %add3A_154 = arith.addi %shift_right_arithmetic3A_151, %add3A_153 : vector<16xi32>
        %reshape3A_155 = vector.shape_cast %add3A_154 : vector<16xi32> to vector<16x1xi32>
        %gather3A_156 = vector.shape_cast %reshape3A_155 : vector<16x1xi32> to vector<16xi32>
        %gather3A_157 = tpu.dynamic_gather %exp3A[%gather3A_156] in [0] : vector<16xf32>, vector<16xi32> -> vector<16xf32>
        %get3A_158 = arith.index_cast %scan3A_69 : i32 to index
        %get3A_159 = arith.constant 48 : index
        %get3A_160 = tpu.vector_load %arg10[%get3A_158, %get3A_159] {strides = array<i32>} : memref<128x80xf32, #tpu.memory_space<vmem>>, vector<1x16xf32>,
        %get3A_161 = vector.shape_cast %get3A_160 : vector<1x16xf32> to vector<16xf32>
        %mul3A_162 = arith.mulf %get3A_161, %gather3A_157 : vector<16xf32>
        %swap3A_163 = arith.index_cast %scan3A_69 : i32 to index
        %swap3A_164 = arith.constant 48 : index
        %swap3A_165 = tpu.vector_load %arg10[%swap3A_163, %swap3A_164] {strides = array<i32>} : memref<128x80xf32, #tpu.memory_space<vmem>>, vector<1x16xf32>,
        %swap3A_166 = vector.shape_cast %swap3A_165 : vector<1x16xf32> to vector<16xf32>
        %swap3A_167 = vector.shape_cast %mul3A_162 : vector<16xf32> to vector<1x16xf32>
        tpu.vector_store %arg10[%swap3A_163, %swap3A_164], %swap3A_167 {strides = array<i32>} : memref<128x80xf32, #tpu.memory_space<vmem>>, vector<1x16xf32>,
        %scan3A_168 = arith.constant 0 : i32
        scf.yield %scan3A_168 : i32
      }
      %scan3A_67 = arith.constant 128 : i32
      "tpu.region"() ({
        %run_scoped3A = tpu.sem_alloc : memref<!tpu.dma_semaphore, #tpu.memory_space<semaphore_mem>>
        %dma_start3A_69 = arith.constant 0 : i32
        %dma_start3A_70 = tpu.memref_slice %arg9[%scan3A_37, %dma_start3A_69] : memref<80x128xi32, #tpu.memory_space<vmem>> -> memref<1x128xi32, #tpu.memory_space<vmem>>
        %dma_start3A_71 = tpu.memref_squeeze %dma_start3A_70 : memref<1x128xi32, #tpu.memory_space<vmem>> -> memref<128xi32, #tpu.memory_space<vmem>>
        %dma_start3A_72 = arith.constant 0 : i32
        %dma_start3A_73 = arith.constant 0 : i32
        %dma_start3A_74 = tpu.memref_slice %arg14[%dma_start3A_72, %dma_start3A_73] : memref<10112x80xf32, #tpu.memory_space<vmem_shared>> -> memref<10112x80xf32, #tpu.memory_space<vmem_shared>>
        tpu.enqueue_indirect_dma source(%arg10 : memref<128x80xf32, #tpu.memory_space<vmem>>) target(%dma_start3A_74 : memref<10112x80xf32, #tpu.memory_space<vmem_shared>>) offsets(%dma_start3A_71 : memref<128xi32, #tpu.memory_space<vmem>>) semaphore(%run_scoped3A : memref<!tpu.dma_semaphore, #tpu.memory_space<semaphore_mem>>) {add = true}
        %dma_wait3A_75 = arith.constant 0 : i32
        %dma_wait3A_76 = tpu.memref_slice %arg9[%scan3A_37, %dma_wait3A_75] : memref<80x128xi32, #tpu.memory_space<vmem>> -> memref<1x128xi32, #tpu.memory_space<vmem>>
        %dma_wait3A_77 = tpu.memref_squeeze %dma_wait3A_76 : memref<1x128xi32, #tpu.memory_space<vmem>> -> memref<128xi32, #tpu.memory_space<vmem>>
        %dma_wait3A_78 = arith.constant 0 : i32
        %dma_wait3A_79 = arith.constant 0 : i32
        %dma_wait3A_80 = tpu.memref_slice %arg14[%dma_wait3A_78, %dma_wait3A_79] : memref<10112x80xf32, #tpu.memory_space<vmem_shared>> -> memref<10112x80xf32, #tpu.memory_space<vmem_shared>>
        tpu.wait_indirect_dma semaphore(%run_scoped3A : memref<!tpu.dma_semaphore, #tpu.memory_space<semaphore_mem>>) src(%arg10 : memref<128x80xf32, #tpu.memory_space<vmem>>) dst(%dma_wait3A_80 : memref<10112x80xf32, #tpu.memory_space<vmem_shared>>)
        tpu.yield
      }) : () -> ()
      %scan3A_68 = arith.constant 0 : i32
      scf.yield %scan3A_68 : i32
    }
    %scan3A_35 = arith.constant 80 : i32
    %barrier3A_36 = arith.constant 0 : index
    tpu.barrier barrier_id(%barrier3A_36)
    "tpu.region"() ({
      %run_scoped3A = tpu.sem_alloc : memref<!tpu.dma_semaphore, #tpu.memory_space<semaphore_mem>>
      %dma_start3A = arith.constant 0 : i32
      %dma_start3A_37 = tpu.memref_slice %arg7[%arg0, %mul3A_14, %dma_start3A] : memref<2x10112x80xf32, #tpu.memory_space<hbm>> -> memref<1x632x80xf32, #tpu.memory_space<hbm>>
      %dma_start3A_38 = tpu.memref_squeeze %dma_start3A_37 : memref<1x632x80xf32, #tpu.memory_space<hbm>> -> memref<632x80xf32, #tpu.memory_space<hbm>>
      %dma_start3A_39 = arith.constant 0 : i32
      %dma_start3A_40 = tpu.memref_slice %arg14[%mul3A_14, %dma_start3A_39] : memref<10112x80xf32, #tpu.memory_space<vmem_shared>> -> memref<632x80xf32, #tpu.memory_space<vmem_shared>>
      tpu.enqueue_dma source(%dma_start3A_40 : memref<632x80xf32, #tpu.memory_space<vmem_shared>>) target(%dma_start3A_38 : memref<632x80xf32, #tpu.memory_space<hbm>>) target_semaphore(%run_scoped3A : memref<!tpu.dma_semaphore, #tpu.memory_space<semaphore_mem>>)
      %dma_wait3A = arith.constant 0 : i32
      %dma_wait3A_41 = tpu.memref_slice %arg7[%arg0, %mul3A_14, %dma_wait3A] : memref<2x10112x80xf32, #tpu.memory_space<hbm>> -> memref<1x632x80xf32, #tpu.memory_space<hbm>>
      %dma_wait3A_42 = tpu.memref_squeeze %dma_wait3A_41 : memref<1x632x80xf32, #tpu.memory_space<hbm>> -> memref<632x80xf32, #tpu.memory_space<hbm>>
      %dma_wait3A_43 = arith.constant 0 : i32
      %dma_wait3A_44 = tpu.memref_slice %arg14[%mul3A_14, %dma_wait3A_43] : memref<10112x80xf32, #tpu.memory_space<vmem_shared>> -> memref<632x80xf32, #tpu.memory_space<vmem_shared>>
      tpu.wait_dma2 semaphore(%run_scoped3A : memref<!tpu.dma_semaphore, #tpu.memory_space<semaphore_mem>>) src(%dma_wait3A_44 : memref<632x80xf32, #tpu.memory_space<vmem_shared>>) dst(%dma_wait3A_42 : memref<632x80xf32, #tpu.memory_space<hbm>>)
      tpu.yield
    }) : () -> ()
    return
  }
}

#map = affine_map<(d0, d1) -> (0, 0)>
#map1 = affine_map<(d0, d1) -> (0)>
#map2 = affine_map<(d0, d1) -> (0, 0, 0)>
module attributes {stable_mosaic.version = 14 : i64} {
  func.func @_sc_layer2(%arg0: i32, %arg1: i32, %arg2: memref<10000x16xf32, #tpu.memory_space<hbm>>, %arg3: memref<2560x128xi32, #tpu.memory_space<hbm>>, %arg4: memref<2560x128xi32, #tpu.memory_space<hbm>>, %arg5: memref<16xf32, #tpu.memory_space<hbm>>, %arg6: memref<2x10112x16xf32, #tpu.memory_space<hbm>>, %arg7: memref<80x128xi32, #tpu.memory_space<vmem>>, %arg8: memref<80x128xi32, #tpu.memory_space<vmem>>, %arg9: memref<128x16xf32, #tpu.memory_space<vmem>>, %arg10: memref<128x16xf32, #tpu.memory_space<vmem>>, %arg11: memref<16xf32, #tpu.memory_space<vmem>>, %arg12: memref<158x16xf32, #tpu.memory_space<vmem>>, %arg13: memref<10112x16xf32, #tpu.memory_space<vmem_shared>>, %arg14: memref<!tpu.dma_semaphore, #tpu.memory_space<semaphore_mem>>, %arg15: memref<!tpu.dma_semaphore, #tpu.memory_space<semaphore_mem>>) attributes {dimension_semantics = [#tpu.dimension_semantics<core_parallel>, #tpu.dimension_semantics<subcore_parallel>], iteration_bounds = array<i64: 2, 16>, scalar_prefetch = 0 : i64, scratch_operands = 9 : i64, tpu.core_type = #tpu.core_type<sc_vector_subcore>, window_params = [{transform_indices = #map}, {transform_indices = #map}, {transform_indices = #map}, {transform_indices = #map1}, {transform_indices = #map2}]} {
    %mul3A = arith.constant 16 : i32
    %mul3A_0 = arith.muli %arg0, %mul3A : i32
    %add3A = arith.addi %mul3A_0, %arg1 : i32
    %broadcast_in_dim3A = arith.constant 0.000000e+00 : f32
    %broadcast_in_dim3A_1 = vector.broadcast %broadcast_in_dim3A : f32 to vector<16xf32>
    %broadcast_in_dim3A_2 = arith.constant 1.000000e+00 : f32
    %broadcast_in_dim3A_3 = vector.broadcast %broadcast_in_dim3A_2 : f32 to vector<16xf32>
    %iota3A = tpu.iota {dimensions = array<i32: 0>} : vector<16xi32>
    %broadcast_in_dim3A_4 = arith.constant 7 : i32
    %broadcast_in_dim3A_5 = vector.broadcast %broadcast_in_dim3A_4 : i32 to vector<16xi32>
    %broadcast_in_dim3A_6 = arith.constant 8 : i32
    %broadcast_in_dim3A_7 = vector.broadcast %broadcast_in_dim3A_6 : i32 to vector<16xi32>
    %scan3A = arith.constant 0 : i32
    %scan3A_8 = arith.constant 0 : i32
    %scan3A_9 = arith.constant 158 : i32
    %scan3A_10 = arith.addi %scan3A_8, %scan3A_9 : i32
    %scan3A_11 = arith.constant 1 : i32
    %scan3A_12 = scf.for %scan3A_38 = %scan3A_8 to %scan3A_10 step %scan3A_11 iter_args(%scan3A_39 = %scan3A) -> (i32)  : i32 {
      %swap3A = arith.index_cast %scan3A_38 : i32 to index
      %swap3A_40 = arith.constant 0 : index
      %swap3A_41 = tpu.vector_load %arg12[%swap3A, %swap3A_40] {strides = array<i32>} : memref<158x16xf32, #tpu.memory_space<vmem>>, vector<1x16xf32>,
      %swap3A_42 = vector.shape_cast %swap3A_41 : vector<1x16xf32> to vector<16xf32>
      %swap3A_43 = vector.shape_cast %broadcast_in_dim3A_1 : vector<16xf32> to vector<1x16xf32>
      tpu.vector_store %arg12[%swap3A, %swap3A_40], %swap3A_43 {strides = array<i32>} : memref<158x16xf32, #tpu.memory_space<vmem>>, vector<1x16xf32>,
      %scan3A_44 = arith.constant 0 : i32
      scf.yield %scan3A_44 : i32
    }
    %scan3A_13 = arith.constant 158 : i32
    %mul3A_14 = arith.constant 632 : i32
    %mul3A_15 = arith.muli %arg1, %mul3A_14 : i32
    %add3A_16 = arith.constant 0 : i32
    %add3A_17 = arith.addi %mul3A_15, %add3A_16 : i32
    "tpu.region"() ({
      %run_scoped3A = tpu.sem_alloc : memref<!tpu.dma_semaphore, #tpu.memory_space<semaphore_mem>>
      %dma_start3A = arith.constant 0 : i32
      %dma_start3A_38 = tpu.memref_slice %arg13[%add3A_17, %dma_start3A] : memref<10112x16xf32, #tpu.memory_space<vmem_shared>> -> memref<158x16xf32, #tpu.memory_space<vmem_shared>>
      %dma_start3A_39 = arith.constant 0 : i32
      %dma_start3A_40 = tpu.memref_slice %arg13[%add3A_17, %dma_start3A_39] : memref<10112x16xf32, #tpu.memory_space<vmem_shared>> -> memref<158x16xf32, #tpu.memory_space<vmem_shared>>
      tpu.enqueue_dma source(%arg12 : memref<158x16xf32, #tpu.memory_space<vmem>>) target(%dma_start3A_40 : memref<158x16xf32, #tpu.memory_space<vmem_shared>>) target_semaphore(%run_scoped3A : memref<!tpu.dma_semaphore, #tpu.memory_space<semaphore_mem>>)
      %dma_wait3A = arith.constant 0 : i32
      %dma_wait3A_41 = tpu.memref_slice %arg13[%add3A_17, %dma_wait3A] : memref<10112x16xf32, #tpu.memory_space<vmem_shared>> -> memref<158x16xf32, #tpu.memory_space<vmem_shared>>
      %dma_wait3A_42 = arith.constant 0 : i32
      %dma_wait3A_43 = tpu.memref_slice %arg13[%add3A_17, %dma_wait3A_42] : memref<10112x16xf32, #tpu.memory_space<vmem_shared>> -> memref<158x16xf32, #tpu.memory_space<vmem_shared>>
      tpu.wait_dma2 semaphore(%run_scoped3A : memref<!tpu.dma_semaphore, #tpu.memory_space<semaphore_mem>>) src(%arg12 : memref<158x16xf32, #tpu.memory_space<vmem>>) dst(%dma_wait3A_43 : memref<158x16xf32, #tpu.memory_space<vmem_shared>>)
      tpu.yield
    }) : () -> ()
    %add3A_18 = arith.constant 158 : i32
    %add3A_19 = arith.addi %mul3A_15, %add3A_18 : i32
    "tpu.region"() ({
      %run_scoped3A = tpu.sem_alloc : memref<!tpu.dma_semaphore, #tpu.memory_space<semaphore_mem>>
      %dma_start3A = arith.constant 0 : i32
      %dma_start3A_38 = tpu.memref_slice %arg13[%add3A_19, %dma_start3A] : memref<10112x16xf32, #tpu.memory_space<vmem_shared>> -> memref<158x16xf32, #tpu.memory_space<vmem_shared>>
      %dma_start3A_39 = arith.constant 0 : i32
      %dma_start3A_40 = tpu.memref_slice %arg13[%add3A_19, %dma_start3A_39] : memref<10112x16xf32, #tpu.memory_space<vmem_shared>> -> memref<158x16xf32, #tpu.memory_space<vmem_shared>>
      tpu.enqueue_dma source(%arg12 : memref<158x16xf32, #tpu.memory_space<vmem>>) target(%dma_start3A_40 : memref<158x16xf32, #tpu.memory_space<vmem_shared>>) target_semaphore(%run_scoped3A : memref<!tpu.dma_semaphore, #tpu.memory_space<semaphore_mem>>)
      %dma_wait3A = arith.constant 0 : i32
      %dma_wait3A_41 = tpu.memref_slice %arg13[%add3A_19, %dma_wait3A] : memref<10112x16xf32, #tpu.memory_space<vmem_shared>> -> memref<158x16xf32, #tpu.memory_space<vmem_shared>>
      %dma_wait3A_42 = arith.constant 0 : i32
      %dma_wait3A_43 = tpu.memref_slice %arg13[%add3A_19, %dma_wait3A_42] : memref<10112x16xf32, #tpu.memory_space<vmem_shared>> -> memref<158x16xf32, #tpu.memory_space<vmem_shared>>
      tpu.wait_dma2 semaphore(%run_scoped3A : memref<!tpu.dma_semaphore, #tpu.memory_space<semaphore_mem>>) src(%arg12 : memref<158x16xf32, #tpu.memory_space<vmem>>) dst(%dma_wait3A_43 : memref<158x16xf32, #tpu.memory_space<vmem_shared>>)
      tpu.yield
    }) : () -> ()
    %add3A_20 = arith.constant 316 : i32
    %add3A_21 = arith.addi %mul3A_15, %add3A_20 : i32
    "tpu.region"() ({
      %run_scoped3A = tpu.sem_alloc : memref<!tpu.dma_semaphore, #tpu.memory_space<semaphore_mem>>
      %dma_start3A = arith.constant 0 : i32
      %dma_start3A_38 = tpu.memref_slice %arg13[%add3A_21, %dma_start3A] : memref<10112x16xf32, #tpu.memory_space<vmem_shared>> -> memref<158x16xf32, #tpu.memory_space<vmem_shared>>
      %dma_start3A_39 = arith.constant 0 : i32
      %dma_start3A_40 = tpu.memref_slice %arg13[%add3A_21, %dma_start3A_39] : memref<10112x16xf32, #tpu.memory_space<vmem_shared>> -> memref<158x16xf32, #tpu.memory_space<vmem_shared>>
      tpu.enqueue_dma source(%arg12 : memref<158x16xf32, #tpu.memory_space<vmem>>) target(%dma_start3A_40 : memref<158x16xf32, #tpu.memory_space<vmem_shared>>) target_semaphore(%run_scoped3A : memref<!tpu.dma_semaphore, #tpu.memory_space<semaphore_mem>>)
      %dma_wait3A = arith.constant 0 : i32
      %dma_wait3A_41 = tpu.memref_slice %arg13[%add3A_21, %dma_wait3A] : memref<10112x16xf32, #tpu.memory_space<vmem_shared>> -> memref<158x16xf32, #tpu.memory_space<vmem_shared>>
      %dma_wait3A_42 = arith.constant 0 : i32
      %dma_wait3A_43 = tpu.memref_slice %arg13[%add3A_21, %dma_wait3A_42] : memref<10112x16xf32, #tpu.memory_space<vmem_shared>> -> memref<158x16xf32, #tpu.memory_space<vmem_shared>>
      tpu.wait_dma2 semaphore(%run_scoped3A : memref<!tpu.dma_semaphore, #tpu.memory_space<semaphore_mem>>) src(%arg12 : memref<158x16xf32, #tpu.memory_space<vmem>>) dst(%dma_wait3A_43 : memref<158x16xf32, #tpu.memory_space<vmem_shared>>)
      tpu.yield
    }) : () -> ()
    %add3A_22 = arith.constant 474 : i32
    %add3A_23 = arith.addi %mul3A_15, %add3A_22 : i32
    "tpu.region"() ({
      %run_scoped3A = tpu.sem_alloc : memref<!tpu.dma_semaphore, #tpu.memory_space<semaphore_mem>>
      %dma_start3A = arith.constant 0 : i32
      %dma_start3A_38 = tpu.memref_slice %arg13[%add3A_23, %dma_start3A] : memref<10112x16xf32, #tpu.memory_space<vmem_shared>> -> memref<158x16xf32, #tpu.memory_space<vmem_shared>>
      %dma_start3A_39 = arith.constant 0 : i32
      %dma_start3A_40 = tpu.memref_slice %arg13[%add3A_23, %dma_start3A_39] : memref<10112x16xf32, #tpu.memory_space<vmem_shared>> -> memref<158x16xf32, #tpu.memory_space<vmem_shared>>
      tpu.enqueue_dma source(%arg12 : memref<158x16xf32, #tpu.memory_space<vmem>>) target(%dma_start3A_40 : memref<158x16xf32, #tpu.memory_space<vmem_shared>>) target_semaphore(%run_scoped3A : memref<!tpu.dma_semaphore, #tpu.memory_space<semaphore_mem>>)
      %dma_wait3A = arith.constant 0 : i32
      %dma_wait3A_41 = tpu.memref_slice %arg13[%add3A_23, %dma_wait3A] : memref<10112x16xf32, #tpu.memory_space<vmem_shared>> -> memref<158x16xf32, #tpu.memory_space<vmem_shared>>
      %dma_wait3A_42 = arith.constant 0 : i32
      %dma_wait3A_43 = tpu.memref_slice %arg13[%add3A_23, %dma_wait3A_42] : memref<10112x16xf32, #tpu.memory_space<vmem_shared>> -> memref<158x16xf32, #tpu.memory_space<vmem_shared>>
      tpu.wait_dma2 semaphore(%run_scoped3A : memref<!tpu.dma_semaphore, #tpu.memory_space<semaphore_mem>>) src(%arg12 : memref<158x16xf32, #tpu.memory_space<vmem>>) dst(%dma_wait3A_43 : memref<158x16xf32, #tpu.memory_space<vmem_shared>>)
      tpu.yield
    }) : () -> ()
    "tpu.region"() ({
      %run_scoped3A = tpu.sem_alloc : memref<!tpu.dma_semaphore, #tpu.memory_space<semaphore_mem>>
      tpu.enqueue_dma source(%arg5 : memref<16xf32, #tpu.memory_space<hbm>>) target(%arg11 : memref<16xf32, #tpu.memory_space<vmem>>) target_semaphore(%run_scoped3A : memref<!tpu.dma_semaphore, #tpu.memory_space<semaphore_mem>>)
      tpu.wait_dma2 semaphore(%run_scoped3A : memref<!tpu.dma_semaphore, #tpu.memory_space<semaphore_mem>>) src(%arg5 : memref<16xf32, #tpu.memory_space<hbm>>) dst(%arg11 : memref<16xf32, #tpu.memory_space<vmem>>)
      tpu.yield
    }) : () -> ()
    %mul3A_24 = arith.constant 80 : i32
    %mul3A_25 = arith.muli %add3A, %mul3A_24 : i32
    "tpu.region"() ({
      %run_scoped3A = tpu.sem_alloc : memref<!tpu.dma_semaphore, #tpu.memory_space<semaphore_mem>>
      %dma_start3A = arith.constant 0 : i32
      %dma_start3A_38 = tpu.memref_slice %arg3[%mul3A_25, %dma_start3A] : memref<2560x128xi32, #tpu.memory_space<hbm>> -> memref<80x128xi32, #tpu.memory_space<hbm>>
      %dma_start3A_39 = arith.constant 0 : i32
      %dma_start3A_40 = tpu.memref_slice %arg3[%mul3A_25, %dma_start3A_39] : memref<2560x128xi32, #tpu.memory_space<hbm>> -> memref<80x128xi32, #tpu.memory_space<hbm>>
      tpu.enqueue_dma source(%dma_start3A_40 : memref<80x128xi32, #tpu.memory_space<hbm>>) target(%arg7 : memref<80x128xi32, #tpu.memory_space<vmem>>) target_semaphore(%run_scoped3A : memref<!tpu.dma_semaphore, #tpu.memory_space<semaphore_mem>>)
      %dma_wait3A = arith.constant 0 : i32
      %dma_wait3A_41 = tpu.memref_slice %arg3[%mul3A_25, %dma_wait3A] : memref<2560x128xi32, #tpu.memory_space<hbm>> -> memref<80x128xi32, #tpu.memory_space<hbm>>
      %dma_wait3A_42 = arith.constant 0 : i32
      %dma_wait3A_43 = tpu.memref_slice %arg3[%mul3A_25, %dma_wait3A_42] : memref<2560x128xi32, #tpu.memory_space<hbm>> -> memref<80x128xi32, #tpu.memory_space<hbm>>
      tpu.wait_dma2 semaphore(%run_scoped3A : memref<!tpu.dma_semaphore, #tpu.memory_space<semaphore_mem>>) src(%dma_wait3A_43 : memref<80x128xi32, #tpu.memory_space<hbm>>) dst(%arg7 : memref<80x128xi32, #tpu.memory_space<vmem>>)
      tpu.yield
    }) : () -> ()
    %mul3A_26 = arith.constant 80 : i32
    %mul3A_27 = arith.muli %add3A, %mul3A_26 : i32
    "tpu.region"() ({
      %run_scoped3A = tpu.sem_alloc : memref<!tpu.dma_semaphore, #tpu.memory_space<semaphore_mem>>
      %dma_start3A = arith.constant 0 : i32
      %dma_start3A_38 = tpu.memref_slice %arg4[%mul3A_27, %dma_start3A] : memref<2560x128xi32, #tpu.memory_space<hbm>> -> memref<80x128xi32, #tpu.memory_space<hbm>>
      %dma_start3A_39 = arith.constant 0 : i32
      %dma_start3A_40 = tpu.memref_slice %arg4[%mul3A_27, %dma_start3A_39] : memref<2560x128xi32, #tpu.memory_space<hbm>> -> memref<80x128xi32, #tpu.memory_space<hbm>>
      tpu.enqueue_dma source(%dma_start3A_40 : memref<80x128xi32, #tpu.memory_space<hbm>>) target(%arg8 : memref<80x128xi32, #tpu.memory_space<vmem>>) target_semaphore(%run_scoped3A : memref<!tpu.dma_semaphore, #tpu.memory_space<semaphore_mem>>)
      %dma_wait3A = arith.constant 0 : i32
      %dma_wait3A_41 = tpu.memref_slice %arg4[%mul3A_27, %dma_wait3A] : memref<2560x128xi32, #tpu.memory_space<hbm>> -> memref<80x128xi32, #tpu.memory_space<hbm>>
      %dma_wait3A_42 = arith.constant 0 : i32
      %dma_wait3A_43 = tpu.memref_slice %arg4[%mul3A_27, %dma_wait3A_42] : memref<2560x128xi32, #tpu.memory_space<hbm>> -> memref<80x128xi32, #tpu.memory_space<hbm>>
      tpu.wait_dma2 semaphore(%run_scoped3A : memref<!tpu.dma_semaphore, #tpu.memory_space<semaphore_mem>>) src(%dma_wait3A_43 : memref<80x128xi32, #tpu.memory_space<hbm>>) dst(%arg8 : memref<80x128xi32, #tpu.memory_space<vmem>>)
      tpu.yield
    }) : () -> ()
    %get3A = arith.constant 0 : index
    %get3A_28 = tpu.vector_load %arg11[%get3A] {strides = array<i32>} : memref<16xf32, #tpu.memory_space<vmem>>, vector<16xf32>,
    %get3A_29 = vector.shape_cast %get3A_28 : vector<16xf32> to vector<16xf32>
    %barrier3A = arith.constant 0 : index
    tpu.barrier barrier_id(%barrier3A)
    %scan3A_30 = arith.constant 0 : i32
    %scan3A_31 = arith.constant 0 : i32
    %scan3A_32 = arith.constant 80 : i32
    %scan3A_33 = arith.addi %scan3A_31, %scan3A_32 : i32
    %scan3A_34 = arith.constant 1 : i32
    %scan3A_35 = scf.for %scan3A_38 = %scan3A_31 to %scan3A_33 step %scan3A_34 iter_args(%scan3A_39 = %scan3A_30) -> (i32)  : i32 {
      %dma_start3A = arith.constant 0 : i32
      %dma_start3A_40 = tpu.memref_slice %arg7[%scan3A_38, %dma_start3A] : memref<80x128xi32, #tpu.memory_space<vmem>> -> memref<1x128xi32, #tpu.memory_space<vmem>>
      %dma_start3A_41 = tpu.memref_squeeze %dma_start3A_40 : memref<1x128xi32, #tpu.memory_space<vmem>> -> memref<128xi32, #tpu.memory_space<vmem>>
      %dma_start3A_42 = arith.constant 0 : i32
      %dma_start3A_43 = arith.constant 0 : i32
      %dma_start3A_44 = tpu.memref_slice %arg2[%dma_start3A_42, %dma_start3A_43] : memref<10000x16xf32, #tpu.memory_space<hbm>> -> memref<10000x16xf32, #tpu.memory_space<hbm>>
      tpu.enqueue_indirect_dma source(%dma_start3A_44 : memref<10000x16xf32, #tpu.memory_space<hbm>>) target(%arg9 : memref<128x16xf32, #tpu.memory_space<vmem>>) offsets(%dma_start3A_41 : memref<128xi32, #tpu.memory_space<vmem>>) semaphore(%arg14 : memref<!tpu.dma_semaphore, #tpu.memory_space<semaphore_mem>>)
      %dma_start3A_45 = arith.constant 0 : i32
      %dma_start3A_46 = tpu.memref_slice %arg8[%scan3A_38, %dma_start3A_45] : memref<80x128xi32, #tpu.memory_space<vmem>> -> memref<1x128xi32, #tpu.memory_space<vmem>>
      %dma_start3A_47 = tpu.memref_squeeze %dma_start3A_46 : memref<1x128xi32, #tpu.memory_space<vmem>> -> memref<128xi32, #tpu.memory_space<vmem>>
      %dma_start3A_48 = arith.constant 0 : i32
      %dma_start3A_49 = arith.constant 0 : i32
      %dma_start3A_50 = tpu.memref_slice %arg2[%dma_start3A_48, %dma_start3A_49] : memref<10000x16xf32, #tpu.memory_space<hbm>> -> memref<10000x16xf32, #tpu.memory_space<hbm>>
      tpu.enqueue_indirect_dma source(%dma_start3A_50 : memref<10000x16xf32, #tpu.memory_space<hbm>>) target(%arg10 : memref<128x16xf32, #tpu.memory_space<vmem>>) offsets(%dma_start3A_47 : memref<128xi32, #tpu.memory_space<vmem>>) semaphore(%arg15 : memref<!tpu.dma_semaphore, #tpu.memory_space<semaphore_mem>>)
      %dma_wait3A = arith.constant 0 : i32
      %dma_wait3A_51 = tpu.memref_slice %arg7[%scan3A_38, %dma_wait3A] : memref<80x128xi32, #tpu.memory_space<vmem>> -> memref<1x128xi32, #tpu.memory_space<vmem>>
      %dma_wait3A_52 = tpu.memref_squeeze %dma_wait3A_51 : memref<1x128xi32, #tpu.memory_space<vmem>> -> memref<128xi32, #tpu.memory_space<vmem>>
      %dma_wait3A_53 = arith.constant 0 : i32
      %dma_wait3A_54 = arith.constant 0 : i32
      %dma_wait3A_55 = tpu.memref_slice %arg2[%dma_wait3A_53, %dma_wait3A_54] : memref<10000x16xf32, #tpu.memory_space<hbm>> -> memref<10000x16xf32, #tpu.memory_space<hbm>>
      tpu.wait_indirect_dma semaphore(%arg14 : memref<!tpu.dma_semaphore, #tpu.memory_space<semaphore_mem>>) src(%dma_wait3A_55 : memref<10000x16xf32, #tpu.memory_space<hbm>>) dst(%arg9 : memref<128x16xf32, #tpu.memory_space<vmem>>)
      %dma_wait3A_56 = arith.constant 0 : i32
      %dma_wait3A_57 = tpu.memref_slice %arg8[%scan3A_38, %dma_wait3A_56] : memref<80x128xi32, #tpu.memory_space<vmem>> -> memref<1x128xi32, #tpu.memory_space<vmem>>
      %dma_wait3A_58 = tpu.memref_squeeze %dma_wait3A_57 : memref<1x128xi32, #tpu.memory_space<vmem>> -> memref<128xi32, #tpu.memory_space<vmem>>
      %dma_wait3A_59 = arith.constant 0 : i32
      %dma_wait3A_60 = arith.constant 0 : i32
      %dma_wait3A_61 = tpu.memref_slice %arg2[%dma_wait3A_59, %dma_wait3A_60] : memref<10000x16xf32, #tpu.memory_space<hbm>> -> memref<10000x16xf32, #tpu.memory_space<hbm>>
      tpu.wait_indirect_dma semaphore(%arg15 : memref<!tpu.dma_semaphore, #tpu.memory_space<semaphore_mem>>) src(%dma_wait3A_61 : memref<10000x16xf32, #tpu.memory_space<hbm>>) dst(%arg10 : memref<128x16xf32, #tpu.memory_space<vmem>>)
      %scan3A_62 = arith.constant 0 : i32
      %scan3A_63 = arith.constant 0 : i32
      %scan3A_64 = arith.constant 128 : i32
      %scan3A_65 = arith.addi %scan3A_63, %scan3A_64 : i32
      %scan3A_66 = arith.constant 1 : i32
      %scan3A_67 = scf.for %scan3A_70 = %scan3A_63 to %scan3A_65 step %scan3A_66 iter_args(%scan3A_71 = %scan3A_62) -> (i32)  : i32 {
        %get3A_72 = arith.index_cast %scan3A_70 : i32 to index
        %get3A_73 = arith.constant 0 : index
        %get3A_74 = tpu.vector_load %arg9[%get3A_72, %get3A_73] {strides = array<i32>} : memref<128x16xf32, #tpu.memory_space<vmem>>, vector<1x16xf32>,
        %get3A_75 = vector.shape_cast %get3A_74 : vector<1x16xf32> to vector<16xf32>
        %get3A_76 = arith.index_cast %scan3A_70 : i32 to index
        %get3A_77 = arith.constant 0 : index
        %get3A_78 = tpu.vector_load %arg10[%get3A_76, %get3A_77] {strides = array<i32>} : memref<128x16xf32, #tpu.memory_space<vmem>>, vector<1x16xf32>,
        %get3A_79 = vector.shape_cast %get3A_78 : vector<1x16xf32> to vector<16xf32>
        %reshape3A = vector.shape_cast %broadcast_in_dim3A_5 : vector<16xi32> to vector<16x1xi32>
        %gather3A = vector.shape_cast %reshape3A : vector<16x1xi32> to vector<16xi32>
        %gather3A_80 = tpu.dynamic_gather %get3A_75[%gather3A] in [0] : vector<16xf32>, vector<16xi32> -> vector<16xf32>
        %reshape3A_81 = vector.shape_cast %broadcast_in_dim3A_7 : vector<16xi32> to vector<16x1xi32>
        %gather3A_82 = vector.shape_cast %reshape3A_81 : vector<16x1xi32> to vector<16xi32>
        %gather3A_83 = tpu.dynamic_gather %get3A_79[%gather3A_82] in [0] : vector<16xf32>, vector<16xi32> -> vector<16xf32>
        %add3A_84 = arith.addf %gather3A_80, %gather3A_83 : vector<16xf32>
        %gt3A = arith.constant 0.000000e+00 : f32
        %gt3A_85 = vector.broadcast %gt3A : f32 to vector<16xf32>
        %gt3A_86 = arith.cmpf ogt, %add3A_84, %gt3A_85 : vector<16xf32>
        %mul3A_87 = arith.constant 2.000000e-01 : f32
        %mul3A_88 = vector.broadcast %mul3A_87 : f32 to vector<16xf32>
        %mul3A_89 = arith.mulf %mul3A_88, %add3A_84 : vector<16xf32>
        %select_n3A = arith.select %gt3A_86, %add3A_84, %mul3A_89 : vector<16xi1>, vector<16xf32>
        %sub3A = arith.subf %select_n3A, %get3A_29 : vector<16xf32>
        %exp3A = math.exp %sub3A : vector<16xf32>
        %eq3A = arith.constant 7 : i32
        %eq3A_90 = vector.broadcast %eq3A : i32 to vector<16xi32>
        %eq3A_91 = arith.cmpi eq, %iota3A, %eq3A_90 : vector<16xi32>
        %ge3A = arith.constant 8 : i32
        %ge3A_92 = vector.broadcast %ge3A : i32 to vector<16xi32>
        %ge3A_93 = arith.cmpi sge, %iota3A, %ge3A_92 : vector<16xi32>
        %select_n3A_94 = arith.select %ge3A_93, %broadcast_in_dim3A_1, %get3A_75 : vector<16xi1>, vector<16xf32>
        %select_n3A_95 = arith.select %eq3A_91, %broadcast_in_dim3A_3, %select_n3A_94 : vector<16xi1>, vector<16xf32>
        %mul3A_96 = arith.mulf %exp3A, %select_n3A_95 : vector<16xf32>
        %swap3A = arith.index_cast %scan3A_70 : i32 to index
        %swap3A_97 = arith.constant 0 : index
        %swap3A_98 = tpu.vector_load %arg9[%swap3A, %swap3A_97] {strides = array<i32>} : memref<128x16xf32, #tpu.memory_space<vmem>>, vector<1x16xf32>,
        %swap3A_99 = vector.shape_cast %swap3A_98 : vector<1x16xf32> to vector<16xf32>
        %swap3A_100 = vector.shape_cast %mul3A_96 : vector<16xf32> to vector<1x16xf32>
        tpu.vector_store %arg9[%swap3A, %swap3A_97], %swap3A_100 {strides = array<i32>} : memref<128x16xf32, #tpu.memory_space<vmem>>, vector<1x16xf32>,
        %scan3A_101 = arith.constant 0 : i32
        scf.yield %scan3A_101 : i32
      }
      %scan3A_68 = arith.constant 128 : i32
      "tpu.region"() ({
        %run_scoped3A = tpu.sem_alloc : memref<!tpu.dma_semaphore, #tpu.memory_space<semaphore_mem>>
        %dma_start3A_70 = arith.constant 0 : i32
        %dma_start3A_71 = tpu.memref_slice %arg8[%scan3A_38, %dma_start3A_70] : memref<80x128xi32, #tpu.memory_space<vmem>> -> memref<1x128xi32, #tpu.memory_space<vmem>>
        %dma_start3A_72 = tpu.memref_squeeze %dma_start3A_71 : memref<1x128xi32, #tpu.memory_space<vmem>> -> memref<128xi32, #tpu.memory_space<vmem>>
        %dma_start3A_73 = arith.constant 0 : i32
        %dma_start3A_74 = arith.constant 0 : i32
        %dma_start3A_75 = tpu.memref_slice %arg13[%dma_start3A_73, %dma_start3A_74] : memref<10112x16xf32, #tpu.memory_space<vmem_shared>> -> memref<10112x16xf32, #tpu.memory_space<vmem_shared>>
        tpu.enqueue_indirect_dma source(%arg9 : memref<128x16xf32, #tpu.memory_space<vmem>>) target(%dma_start3A_75 : memref<10112x16xf32, #tpu.memory_space<vmem_shared>>) offsets(%dma_start3A_72 : memref<128xi32, #tpu.memory_space<vmem>>) semaphore(%run_scoped3A : memref<!tpu.dma_semaphore, #tpu.memory_space<semaphore_mem>>) {add = true}
        %dma_wait3A_76 = arith.constant 0 : i32
        %dma_wait3A_77 = tpu.memref_slice %arg8[%scan3A_38, %dma_wait3A_76] : memref<80x128xi32, #tpu.memory_space<vmem>> -> memref<1x128xi32, #tpu.memory_space<vmem>>
        %dma_wait3A_78 = tpu.memref_squeeze %dma_wait3A_77 : memref<1x128xi32, #tpu.memory_space<vmem>> -> memref<128xi32, #tpu.memory_space<vmem>>
        %dma_wait3A_79 = arith.constant 0 : i32
        %dma_wait3A_80 = arith.constant 0 : i32
        %dma_wait3A_81 = tpu.memref_slice %arg13[%dma_wait3A_79, %dma_wait3A_80] : memref<10112x16xf32, #tpu.memory_space<vmem_shared>> -> memref<10112x16xf32, #tpu.memory_space<vmem_shared>>
        tpu.wait_indirect_dma semaphore(%run_scoped3A : memref<!tpu.dma_semaphore, #tpu.memory_space<semaphore_mem>>) src(%arg9 : memref<128x16xf32, #tpu.memory_space<vmem>>) dst(%dma_wait3A_81 : memref<10112x16xf32, #tpu.memory_space<vmem_shared>>)
        tpu.yield
      }) : () -> ()
      %scan3A_69 = arith.constant 0 : i32
      scf.yield %scan3A_69 : i32
    }
    %scan3A_36 = arith.constant 80 : i32
    %barrier3A_37 = arith.constant 0 : index
    tpu.barrier barrier_id(%barrier3A_37)
    "tpu.region"() ({
      %run_scoped3A = tpu.sem_alloc : memref<!tpu.dma_semaphore, #tpu.memory_space<semaphore_mem>>
      %dma_start3A = arith.constant 0 : i32
      %dma_start3A_38 = tpu.memref_slice %arg6[%arg0, %mul3A_15, %dma_start3A] : memref<2x10112x16xf32, #tpu.memory_space<hbm>> -> memref<1x632x16xf32, #tpu.memory_space<hbm>>
      %dma_start3A_39 = tpu.memref_squeeze %dma_start3A_38 : memref<1x632x16xf32, #tpu.memory_space<hbm>> -> memref<632x16xf32, #tpu.memory_space<hbm>>
      %dma_start3A_40 = arith.constant 0 : i32
      %dma_start3A_41 = tpu.memref_slice %arg13[%mul3A_15, %dma_start3A_40] : memref<10112x16xf32, #tpu.memory_space<vmem_shared>> -> memref<632x16xf32, #tpu.memory_space<vmem_shared>>
      tpu.enqueue_dma source(%dma_start3A_41 : memref<632x16xf32, #tpu.memory_space<vmem_shared>>) target(%dma_start3A_39 : memref<632x16xf32, #tpu.memory_space<hbm>>) target_semaphore(%run_scoped3A : memref<!tpu.dma_semaphore, #tpu.memory_space<semaphore_mem>>)
      %dma_wait3A = arith.constant 0 : i32
      %dma_wait3A_42 = tpu.memref_slice %arg6[%arg0, %mul3A_15, %dma_wait3A] : memref<2x10112x16xf32, #tpu.memory_space<hbm>> -> memref<1x632x16xf32, #tpu.memory_space<hbm>>
      %dma_wait3A_43 = tpu.memref_squeeze %dma_wait3A_42 : memref<1x632x16xf32, #tpu.memory_space<hbm>> -> memref<632x16xf32, #tpu.memory_space<hbm>>
      %dma_wait3A_44 = arith.constant 0 : i32
      %dma_wait3A_45 = tpu.memref_slice %arg13[%mul3A_15, %dma_wait3A_44] : memref<10112x16xf32, #tpu.memory_space<vmem_shared>> -> memref<632x16xf32, #tpu.memory_space<vmem_shared>>
      tpu.wait_dma2 semaphore(%run_scoped3A : memref<!tpu.dma_semaphore, #tpu.memory_space<semaphore_mem>>) src(%dma_wait3A_45 : memref<632x16xf32, #tpu.memory_space<vmem_shared>>) dst(%dma_wait3A_43 : memref<632x16xf32, #tpu.memory_space<hbm>>)
      tpu.yield
    }) : () -> ()
    return
  }
}

module attributes {stable_mosaic.version = 14 : i64} {
  func.func @_k1_body(%arg0: i32, %arg1: memref<1000x128xf32, #tpu.memory_space<vmem>>, %arg2: memref<128x64xf32, #tpu.memory_space<vmem>>, %arg3: memref<64x8xf32, #tpu.memory_space<vmem>>, %arg4: memref<64x8xf32, #tpu.memory_space<vmem>>, %arg5: memref<1000x80xf32, #tpu.memory_space<vmem>>, %arg6: memref<1000x16xf32, #tpu.memory_space<vmem>>, %arg7: memref<1x1x16xf32, #tpu.memory_space<vmem>>) attributes {dimension_semantics = [#tpu.dimension_semantics<arbitrary>], iteration_bounds = array<i64: 10>, scalar_prefetch = 0 : i64, scratch_operands = 0 : i64, tpu.core_type = #tpu.core_type<tc>, window_params = [{transform_indices = @transform_0, window_bounds = array<i64: 1000, 128>}, {pipeline_mode = #tpu.pipeline_mode<synchronous>, transform_indices = @transform_1, window_bounds = array<i64: 128, 64>}, {pipeline_mode = #tpu.pipeline_mode<synchronous>, transform_indices = @transform_2, window_bounds = array<i64: 64, 8>}, {pipeline_mode = #tpu.pipeline_mode<synchronous>, transform_indices = @transform_3, window_bounds = array<i64: 64, 8>}, {transform_indices = @transform_4, window_bounds = array<i64: 1000, 80>}, {transform_indices = @transform_5, window_bounds = array<i64: 1000, 16>}, {transform_indices = @transform_6, window_bounds = array<i64: 1, 1, 16>}]} {
    %get3A = arith.constant 0 : index
    %get3A_0 = arith.constant 0 : index
    %get3A_1 = vector.load %arg1[%get3A, %get3A_0] : memref<1000x128xf32, #tpu.memory_space<vmem>>, vector<1000x128xf32>
    %get3A_2 = arith.constant 0 : index
    %get3A_3 = arith.constant 0 : index
    %get3A_4 = vector.load %arg2[%get3A_2, %get3A_3] : memref<128x64xf32, #tpu.memory_space<vmem>>, vector<128x64xf32>
    %dot_general3A = arith.constant dense<0.000000e+00> : vector<1000x64xf32>
    %dot_general3A_5 = tpu.matmul %get3A_1, %get3A_4, %dot_general3A {dimension_numbers = #tpu.dot_dimension_numbers<[1], [0], [0], [1], [0, 0, 1, 1], [], []>, transpose_lhs_hint = false} : vector<1000x128xf32>, vector<128x64xf32>, vector<1000x64xf32> -> vector<1000x64xf32>
    %get3A_6 = arith.constant 0 : index
    %get3A_7 = arith.constant 0 : index
    %get3A_8 = vector.load %arg3[%get3A_6, %get3A_7] : memref<64x8xf32, #tpu.memory_space<vmem>>, vector<64x8xf32>
    %dot_general3A_9 = arith.constant dense<0.000000e+00> : vector<1000x8xf32>
    %dot_general3A_10 = tpu.matmul %dot_general3A_5, %get3A_8, %dot_general3A_9 {dimension_numbers = #tpu.dot_dimension_numbers<[1], [0], [0], [1], [0, 0, 1, 1], [], []>, transpose_lhs_hint = false} : vector<1000x64xf32>, vector<64x8xf32>, vector<1000x8xf32> -> vector<1000x8xf32>
    %get3A_11 = arith.constant 0 : index
    %get3A_12 = arith.constant 0 : index
    %get3A_13 = vector.load %arg4[%get3A_11, %get3A_12] : memref<64x8xf32, #tpu.memory_space<vmem>>, vector<64x8xf32>
    %dot_general3A_14 = arith.constant dense<0.000000e+00> : vector<1000x8xf32>
    %dot_general3A_15 = tpu.matmul %dot_general3A_5, %get3A_13, %dot_general3A_14 {dimension_numbers = #tpu.dot_dimension_numbers<[1], [0], [0], [1], [0, 0, 1, 1], [], []>, transpose_lhs_hint = false} : vector<1000x64xf32>, vector<64x8xf32>, vector<1000x8xf32> -> vector<1000x8xf32>
    %swap3A = arith.constant 0 : index
    %swap3A_16 = arith.constant 0 : index
    %swap3A_17 = vector.load %arg5[%swap3A, %swap3A_16] : memref<1000x80xf32, #tpu.memory_space<vmem>>, vector<1000x64xf32>
    tpu.vector_store %arg5[%swap3A, %swap3A_16], %dot_general3A_5 {strides = array<i32>} : memref<1000x80xf32, #tpu.memory_space<vmem>>, vector<1000x64xf32>,
    %swap3A_18 = arith.constant 0 : index
    %swap3A_19 = arith.constant 64 : index
    %swap3A_20 = vector.load %arg5[%swap3A_18, %swap3A_19] : memref<1000x80xf32, #tpu.memory_space<vmem>>, vector<1000x8xf32>
    tpu.vector_store %arg5[%swap3A_18, %swap3A_19], %dot_general3A_10 {strides = array<i32>} : memref<1000x80xf32, #tpu.memory_space<vmem>>, vector<1000x8xf32>,
    %swap3A_21 = arith.constant 0 : index
    %swap3A_22 = arith.constant 72 : index
    %swap3A_23 = vector.load %arg5[%swap3A_21, %swap3A_22] : memref<1000x80xf32, #tpu.memory_space<vmem>>, vector<1000x8xf32>
    tpu.vector_store %arg5[%swap3A_21, %swap3A_22], %dot_general3A_15 {strides = array<i32>} : memref<1000x80xf32, #tpu.memory_space<vmem>>, vector<1000x8xf32>,
    %swap3A_24 = arith.constant 0 : index
    %swap3A_25 = arith.constant 0 : index
    %swap3A_26 = vector.load %arg6[%swap3A_24, %swap3A_25] : memref<1000x16xf32, #tpu.memory_space<vmem>>, vector<1000x8xf32>
    tpu.vector_store %arg6[%swap3A_24, %swap3A_25], %dot_general3A_10 {strides = array<i32>} : memref<1000x16xf32, #tpu.memory_space<vmem>>, vector<1000x8xf32>,
    %swap3A_27 = arith.constant 0 : index
    %swap3A_28 = arith.constant 8 : index
    %swap3A_29 = vector.load %arg6[%swap3A_27, %swap3A_28] : memref<1000x16xf32, #tpu.memory_space<vmem>>, vector<1000x8xf32>
    tpu.vector_store %arg6[%swap3A_27, %swap3A_28], %dot_general3A_15 {strides = array<i32>} : memref<1000x16xf32, #tpu.memory_space<vmem>>, vector<1000x8xf32>,
    %reduce_max3A = arith.constant dense<0xFF800000> : vector<8xf32>
    %reduce_max3A_30 = vector.multi_reduction <maximumf>, %dot_general3A_10, %reduce_max3A [0] : vector<1000x8xf32> to vector<8xf32>
    %reduce_max3A_31 = arith.constant dense<0xFF800000> : vector<8xf32>
    %reduce_max3A_32 = vector.multi_reduction <maximumf>, %dot_general3A_15, %reduce_max3A_31 [0] : vector<1000x8xf32> to vector<8xf32>
    %concatenate3A = tpu.concatenate %reduce_max3A_30, %reduce_max3A_32 in 0 : vector<8xf32>, vector<8xf32> -> vector<16xf32>
    %reshape3A = vector.shape_cast %concatenate3A : vector<16xf32> to vector<1x1x16xf32>
    %swap3A_33 = arith.constant 0 : index
    %swap3A_34 = arith.constant 0 : index
    %swap3A_35 = arith.constant 0 : index
    %swap3A_36 = vector.load %arg7[%swap3A_33, %swap3A_34, %swap3A_35] : memref<1x1x16xf32, #tpu.memory_space<vmem>>, vector<1x1x16xf32>
    tpu.vector_store %arg7[%swap3A_33, %swap3A_34, %swap3A_35], %reshape3A {strides = array<i32>} : memref<1x1x16xf32, #tpu.memory_space<vmem>>, vector<1x1x16xf32>,
    return
  }
  func.func @transform_0(%arg0: i32) -> (i32, i32) {
    %c0_i32 = arith.constant 0 : i32
    %c0_i32_0 = arith.constant 0 : i32
    return %arg0, %c0_i32 : i32, i32
  }
  func.func @transform_1(%arg0: i32) -> (i32, i32) {
    %c0_i32 = arith.constant 0 : i32
    %c0_i32_0 = arith.constant 0 : i32
    %c0_i32_1 = arith.constant 0 : i32
    return %c0_i32, %c0_i32_0 : i32, i32
  }
  func.func @transform_2(%arg0: i32) -> (i32, i32) {
    %c0_i32 = arith.constant 0 : i32
    %c0_i32_0 = arith.constant 0 : i32
    %c0_i32_1 = arith.constant 0 : i32
    return %c0_i32, %c0_i32_0 : i32, i32
  }
  func.func @transform_3(%arg0: i32) -> (i32, i32) {
    %c0_i32 = arith.constant 0 : i32
    %c0_i32_0 = arith.constant 0 : i32
    %c0_i32_1 = arith.constant 0 : i32
    return %c0_i32, %c0_i32_0 : i32, i32
  }
  func.func @transform_4(%arg0: i32) -> (i32, i32) {
    %c0_i32 = arith.constant 0 : i32
    %c0_i32_0 = arith.constant 0 : i32
    return %arg0, %c0_i32 : i32, i32
  }
  func.func @transform_5(%arg0: i32) -> (i32, i32) {
    %c0_i32 = arith.constant 0 : i32
    %c0_i32_0 = arith.constant 0 : i32
    return %arg0, %c0_i32 : i32, i32
  }
  func.func @transform_6(%arg0: i32) -> (i32, i32, i32) {
    %c0_i32 = arith.constant 0 : i32
    %c0_i32_0 = arith.constant 0 : i32
    %c0_i32_1 = arith.constant 0 : i32
    return %arg0, %c0_i32, %c0_i32_0 : i32, i32, i32
  }
}

module attributes {stable_mosaic.version = 14 : i64} {
  func.func @_k2_body(%arg0: i32, %arg1: memref<1000x80xf32, #tpu.memory_space<vmem>>, %arg2: memref<1000x80xf32, #tpu.memory_space<vmem>>, %arg3: memref<1000x80xf32, #tpu.memory_space<vmem>>, %arg4: memref<1x16xf32, #tpu.memory_space<vmem>>, %arg5: memref<64x7xf32, #tpu.memory_space<vmem>>, %arg6: memref<7x1xf32, #tpu.memory_space<vmem>>, %arg7: memref<7x1xf32, #tpu.memory_space<vmem>>, %arg8: memref<1x64xf32, #tpu.memory_space<vmem>>, %arg9: memref<8x64xf32, #tpu.memory_space<vmem>>, %arg10: memref<1000x16xf32, #tpu.memory_space<vmem>>, %arg11: memref<1x1x16xf32, #tpu.memory_space<vmem>>) attributes {dimension_semantics = [#tpu.dimension_semantics<arbitrary>], iteration_bounds = array<i64: 10>, scalar_prefetch = 0 : i64, scratch_operands = 0 : i64, tpu.core_type = #tpu.core_type<tc>, window_params = [{transform_indices = @transform_0, window_bounds = array<i64: 1000, 80>}, {transform_indices = @transform_1, window_bounds = array<i64: 1000, 80>}, {transform_indices = @transform_2, window_bounds = array<i64: 1000, 80>}, {pipeline_mode = #tpu.pipeline_mode<synchronous>, transform_indices = @transform_3, window_bounds = array<i64: 1, 16>}, {pipeline_mode = #tpu.pipeline_mode<synchronous>, transform_indices = @transform_4, window_bounds = array<i64: 64, 7>}, {pipeline_mode = #tpu.pipeline_mode<synchronous>, transform_indices = @transform_5, window_bounds = array<i64: 7, 1>}, {pipeline_mode = #tpu.pipeline_mode<synchronous>, transform_indices = @transform_6, window_bounds = array<i64: 7, 1>}, {pipeline_mode = #tpu.pipeline_mode<synchronous>, transform_indices = @transform_7, window_bounds = array<i64: 1, 64>}, {pipeline_mode = #tpu.pipeline_mode<synchronous>, transform_indices = @transform_8, window_bounds = array<i64: 8, 64>}, {transform_indices = @transform_9, window_bounds = array<i64: 1000, 16>}, {transform_indices = @transform_10, window_bounds = array<i64: 1, 1, 16>}]} {
    %get3A = arith.constant 0 : index
    %get3A_0 = arith.constant 0 : index
    %get3A_1 = vector.load %arg3[%get3A, %get3A_0] : memref<1000x80xf32, #tpu.memory_space<vmem>>, vector<1000x80xf32>
    %slice3A = vector.extract_strided_slice %get3A_1 {offsets = [0, 0], sizes = [1000, 64], strides = [1, 1]} : vector<1000x80xf32> to vector<1000x64xf32>
    %slice3A_2 = vector.extract_strided_slice %get3A_1 {offsets = [0, 64], sizes = [1000, 8], strides = [1, 1]} : vector<1000x80xf32> to vector<1000x8xf32>
    %slice3A_3 = vector.extract_strided_slice %get3A_1 {offsets = [0, 72], sizes = [1000, 8], strides = [1, 1]} : vector<1000x80xf32> to vector<1000x8xf32>
    %get3A_4 = arith.constant 0 : index
    %get3A_5 = arith.constant 0 : index
    %get3A_6 = vector.load %arg4[%get3A_4, %get3A_5] : memref<1x16xf32, #tpu.memory_space<vmem>>, vector<1x16xf32>
    %slice3A_7 = vector.extract_strided_slice %get3A_6 {offsets = [0, 0], sizes = [1, 8], strides = [1, 1]} : vector<1x16xf32> to vector<1x8xf32>
    %add3A = arith.addf %slice3A_2, %slice3A_3 : vector<1000x8xf32>
    %gt3A = arith.constant 0.000000e+00 : f32
    %gt3A_8 = vector.broadcast %gt3A : f32 to vector<1000x8xf32>
    %gt3A_9 = arith.cmpf ogt, %add3A, %gt3A_8 : vector<1000x8xf32>
    %mul3A = arith.constant 2.000000e-01 : f32
    %mul3A_10 = vector.broadcast %mul3A : f32 to vector<1000x8xf32>
    %mul3A_11 = arith.mulf %mul3A_10, %add3A : vector<1000x8xf32>
    %select_n3A = arith.select %gt3A_9, %add3A, %mul3A_11 : vector<1000x8xi1>, vector<1000x8xf32>
    %sub3A = vector.broadcast %slice3A_7 : vector<1x8xf32> to vector<1000x8xf32>
    %sub3A_12 = arith.subf %select_n3A, %sub3A : vector<1000x8xf32>
    %exp3A = math.exp %sub3A_12 : vector<1000x8xf32>
    %get3A_13 = arith.constant 0 : index
    %get3A_14 = arith.constant 0 : index
    %get3A_15 = vector.load %arg9[%get3A_13, %get3A_14] : memref<8x64xf32, #tpu.memory_space<vmem>>, vector<8x64xf32>
    %get3A_16 = arith.constant 0 : index
    %get3A_17 = arith.constant 0 : index
    %get3A_18 = vector.load %arg1[%get3A_16, %get3A_17] : memref<1000x80xf32, #tpu.memory_space<vmem>>, vector<1000x64xf32>
    %get3A_19 = arith.constant 0 : index
    %get3A_20 = arith.constant 0 : index
    %get3A_21 = vector.load %arg2[%get3A_19, %get3A_20] : memref<1000x80xf32, #tpu.memory_space<vmem>>, vector<1000x64xf32>
    %add3A_22 = arith.addf %get3A_18, %get3A_21 : vector<1000x64xf32>
    %dot_general3A = arith.constant dense<0.000000e+00> : vector<1000x64xf32>
    %dot_general3A_23 = tpu.matmul %exp3A, %get3A_15, %dot_general3A {dimension_numbers = #tpu.dot_dimension_numbers<[1], [0], [0], [1], [0, 0, 1, 1], [], []>, transpose_lhs_hint = false} : vector<1000x8xf32>, vector<8x64xf32>, vector<1000x64xf32> -> vector<1000x64xf32>
    %mul3A_24 = arith.mulf %slice3A, %dot_general3A_23 : vector<1000x64xf32>
    %add3A_25 = arith.addf %add3A_22, %mul3A_24 : vector<1000x64xf32>
    %get3A_26 = arith.constant 0 : index
    %get3A_27 = arith.constant 64 : index
    %get3A_28 = vector.load %arg1[%get3A_26, %get3A_27] : memref<1000x80xf32, #tpu.memory_space<vmem>>, vector<1000x8xf32>
    %get3A_29 = arith.constant 0 : index
    %get3A_30 = arith.constant 64 : index
    %get3A_31 = vector.load %arg2[%get3A_29, %get3A_30] : memref<1000x80xf32, #tpu.memory_space<vmem>>, vector<1000x8xf32>
    %add3A_32 = arith.addf %get3A_28, %get3A_31 : vector<1000x8xf32>
    %add3A_33 = arith.addf %add3A_32, %exp3A : vector<1000x8xf32>
    %add3A_34 = arith.constant 1.000000e-16 : f32
    %add3A_35 = vector.broadcast %add3A_34 : f32 to vector<1000x8xf32>
    %add3A_36 = arith.addf %add3A_33, %add3A_35 : vector<1000x8xf32>
    %dot_general3A_37 = arith.constant dense<0.000000e+00> : vector<1000x64xf32>
    %dot_general3A_38 = tpu.matmul %add3A_36, %get3A_15, %dot_general3A_37 {dimension_numbers = #tpu.dot_dimension_numbers<[1], [0], [0], [1], [0, 0, 1, 1], [], []>, transpose_lhs_hint = false} : vector<1000x8xf32>, vector<8x64xf32>, vector<1000x64xf32> -> vector<1000x64xf32>
    %div3A = arith.divf %add3A_25, %dot_general3A_38 : vector<1000x64xf32>
    %get3A_39 = arith.constant 0 : index
    %get3A_40 = arith.constant 0 : index
    %get3A_41 = vector.load %arg8[%get3A_39, %get3A_40] : memref<1x64xf32, #tpu.memory_space<vmem>>, vector<1x64xf32>
    %add3A_42 = vector.broadcast %get3A_41 : vector<1x64xf32> to vector<1000x64xf32>
    %add3A_43 = arith.addf %div3A, %add3A_42 : vector<1000x64xf32>
    %get3A_44 = arith.constant 0 : index
    %get3A_45 = arith.constant 0 : index
    %get3A_46 = vector.load %arg5[%get3A_44, %get3A_45] : memref<64x7xf32, #tpu.memory_space<vmem>>, vector<64x7xf32>
    %dot_general3A_47 = arith.constant dense<0.000000e+00> : vector<1000x7xf32>
    %dot_general3A_48 = tpu.matmul %add3A_43, %get3A_46, %dot_general3A_47 {dimension_numbers = #tpu.dot_dimension_numbers<[1], [0], [0], [1], [0, 0, 1, 1], [], []>, transpose_lhs_hint = false} : vector<1000x64xf32>, vector<64x7xf32>, vector<1000x7xf32> -> vector<1000x7xf32>
    %get3A_49 = arith.constant 0 : index
    %get3A_50 = arith.constant 0 : index
    %get3A_51 = vector.load %arg6[%get3A_49, %get3A_50] : memref<7x1xf32, #tpu.memory_space<vmem>>, vector<7x1xf32>
    %dot_general3A_52 = arith.constant dense<0.000000e+00> : vector<1000x1xf32>
    %dot_general3A_53 = tpu.matmul %dot_general3A_48, %get3A_51, %dot_general3A_52 {dimension_numbers = #tpu.dot_dimension_numbers<[1], [0], [0], [1], [0, 0, 1, 1], [], []>, transpose_lhs_hint = false} : vector<1000x7xf32>, vector<7x1xf32>, vector<1000x1xf32> -> vector<1000x1xf32>
    %get3A_54 = arith.constant 0 : index
    %get3A_55 = arith.constant 0 : index
    %get3A_56 = vector.load %arg7[%get3A_54, %get3A_55] : memref<7x1xf32, #tpu.memory_space<vmem>>, vector<7x1xf32>
    %dot_general3A_57 = arith.constant dense<0.000000e+00> : vector<1000x1xf32>
    %dot_general3A_58 = tpu.matmul %dot_general3A_48, %get3A_56, %dot_general3A_57 {dimension_numbers = #tpu.dot_dimension_numbers<[1], [0], [0], [1], [0, 0, 1, 1], [], []>, transpose_lhs_hint = false} : vector<1000x7xf32>, vector<7x1xf32>, vector<1000x1xf32> -> vector<1000x1xf32>
    %swap3A = arith.constant 0 : index
    %swap3A_59 = arith.constant 0 : index
    %swap3A_60 = vector.load %arg10[%swap3A, %swap3A_59] : memref<1000x16xf32, #tpu.memory_space<vmem>>, vector<1000x7xf32>
    tpu.vector_store %arg10[%swap3A, %swap3A_59], %dot_general3A_48 {strides = array<i32>} : memref<1000x16xf32, #tpu.memory_space<vmem>>, vector<1000x7xf32>,
    %swap3A_61 = arith.constant 0 : index
    %swap3A_62 = arith.constant 7 : index
    %swap3A_63 = vector.load %arg10[%swap3A_61, %swap3A_62] : memref<1000x16xf32, #tpu.memory_space<vmem>>, vector<1000x1xf32>
    tpu.vector_store %arg10[%swap3A_61, %swap3A_62], %dot_general3A_53 {strides = array<i32>} : memref<1000x16xf32, #tpu.memory_space<vmem>>, vector<1000x1xf32>,
    %swap3A_64 = arith.constant 0 : index
    %swap3A_65 = arith.constant 8 : index
    %swap3A_66 = vector.load %arg10[%swap3A_64, %swap3A_65] : memref<1000x16xf32, #tpu.memory_space<vmem>>, vector<1000x1xf32>
    tpu.vector_store %arg10[%swap3A_64, %swap3A_65], %dot_general3A_58 {strides = array<i32>} : memref<1000x16xf32, #tpu.memory_space<vmem>>, vector<1000x1xf32>,
    %broadcast_in_dim3A = arith.constant 0.000000e+00 : f32
    %broadcast_in_dim3A_67 = vector.broadcast %broadcast_in_dim3A : f32 to vector<1000x7xf32>
    %swap3A_68 = arith.constant 0 : index
    %swap3A_69 = arith.constant 9 : index
    %swap3A_70 = vector.load %arg10[%swap3A_68, %swap3A_69] : memref<1000x16xf32, #tpu.memory_space<vmem>>, vector<1000x7xf32>
    tpu.vector_store %arg10[%swap3A_68, %swap3A_69], %broadcast_in_dim3A_67 {strides = array<i32>} : memref<1000x16xf32, #tpu.memory_space<vmem>>, vector<1000x7xf32>,
    %iota3A = tpu.iota {dimensions = array<i32: 2>} : vector<1x1x16xi32>
    %eq3A = arith.constant 0 : i32
    %eq3A_71 = vector.broadcast %eq3A : i32 to vector<1x1x16xi32>
    %eq3A_72 = arith.cmpi eq, %iota3A, %eq3A_71 : vector<1x1x16xi32>
    %reduce_max3A = vector.shape_cast %dot_general3A_53 : vector<1000x1xf32> to vector<1x1000x1xf32>
    %reduce_max3A_73 = arith.constant dense<0xFF800000> : vector<1xf32>
    %reduce_max3A_74 = vector.multi_reduction <maximumf>, %reduce_max3A, %reduce_max3A_73 [1, 2] : vector<1x1000x1xf32> to vector<1xf32>
    %reduce_max3A_75 = vector.shape_cast %reduce_max3A_74 : vector<1xf32> to vector<1x1x1xf32>
    %reduce_max3A_76 = vector.extract %reduce_max3A_75[0, 0, 0] : f32 from vector<1x1x1xf32>
    %eq3A_77 = arith.constant 1 : i32
    %eq3A_78 = vector.broadcast %eq3A_77 : i32 to vector<1x1x16xi32>
    %eq3A_79 = arith.cmpi eq, %iota3A, %eq3A_78 : vector<1x1x16xi32>
    %reduce_max3A_80 = vector.shape_cast %dot_general3A_58 : vector<1000x1xf32> to vector<1x1000x1xf32>
    %reduce_max3A_81 = arith.constant dense<0xFF800000> : vector<1xf32>
    %reduce_max3A_82 = vector.multi_reduction <maximumf>, %reduce_max3A_80, %reduce_max3A_81 [1, 2] : vector<1x1000x1xf32> to vector<1xf32>
    %reduce_max3A_83 = vector.shape_cast %reduce_max3A_82 : vector<1xf32> to vector<1x1x1xf32>
    %reduce_max3A_84 = vector.extract %reduce_max3A_83[0, 0, 0] : f32 from vector<1x1x1xf32>
    %jit3A = arith.constant -1.000000e+30 : f32
    %broadcast_in_dim3A_85 = vector.broadcast %reduce_max3A_84 : f32 to vector<1x1x16xf32>
    %broadcast_in_dim3A_86 = vector.broadcast %jit3A : f32 to vector<1x1x16xf32>
    %select_n3A_87 = arith.select %eq3A_79, %broadcast_in_dim3A_85, %broadcast_in_dim3A_86 : vector<1x1x16xi1>, vector<1x1x16xf32>
    %broadcast_in_dim3A_88 = vector.broadcast %reduce_max3A_76 : f32 to vector<1x1x16xf32>
    %select_n3A_89 = arith.select %eq3A_72, %broadcast_in_dim3A_88, %select_n3A_87 : vector<1x1x16xi1>, vector<1x1x16xf32>
    %swap3A_90 = arith.constant 0 : index
    %swap3A_91 = arith.constant 0 : index
    %swap3A_92 = arith.constant 0 : index
    %swap3A_93 = vector.load %arg11[%swap3A_90, %swap3A_91, %swap3A_92] : memref<1x1x16xf32, #tpu.memory_space<vmem>>, vector<1x1x16xf32>
    tpu.vector_store %arg11[%swap3A_90, %swap3A_91, %swap3A_92], %select_n3A_89 {strides = array<i32>} : memref<1x1x16xf32, #tpu.memory_space<vmem>>, vector<1x1x16xf32>,
    return
  }
  func.func @transform_0(%arg0: i32) -> (i32, i32) {
    %c0_i32 = arith.constant 0 : i32
    %c0_i32_0 = arith.constant 0 : i32
    return %arg0, %c0_i32 : i32, i32
  }
  func.func @transform_1(%arg0: i32) -> (i32, i32) {
    %c0_i32 = arith.constant 0 : i32
    %c0_i32_0 = arith.constant 0 : i32
    return %arg0, %c0_i32 : i32, i32
  }
  func.func @transform_2(%arg0: i32) -> (i32, i32) {
    %c0_i32 = arith.constant 0 : i32
    %c0_i32_0 = arith.constant 0 : i32
    return %arg0, %c0_i32 : i32, i32
  }
  func.func @transform_3(%arg0: i32) -> (i32, i32) {
    %c0_i32 = arith.constant 0 : i32
    %c0_i32_0 = arith.constant 0 : i32
    %c0_i32_1 = arith.constant 0 : i32
    return %c0_i32, %c0_i32_0 : i32, i32
  }
  func.func @transform_4(%arg0: i32) -> (i32, i32) {
    %c0_i32 = arith.constant 0 : i32
    %c0_i32_0 = arith.constant 0 : i32
    %c0_i32_1 = arith.constant 0 : i32
    return %c0_i32, %c0_i32_0 : i32, i32
  }
  func.func @transform_5(%arg0: i32) -> (i32, i32) {
    %c0_i32 = arith.constant 0 : i32
    %c0_i32_0 = arith.constant 0 : i32
    %c0_i32_1 = arith.constant 0 : i32
    return %c0_i32, %c0_i32_0 : i32, i32
  }
  func.func @transform_6(%arg0: i32) -> (i32, i32) {
    %c0_i32 = arith.constant 0 : i32
    %c0_i32_0 = arith.constant 0 : i32
    %c0_i32_1 = arith.constant 0 : i32
    return %c0_i32, %c0_i32_0 : i32, i32
  }
  func.func @transform_7(%arg0: i32) -> (i32, i32) {
    %c0_i32 = arith.constant 0 : i32
    %c0_i32_0 = arith.constant 0 : i32
    %c0_i32_1 = arith.constant 0 : i32
    return %c0_i32, %c0_i32_0 : i32, i32
  }
  func.func @transform_8(%arg0: i32) -> (i32, i32) {
    %c0_i32 = arith.constant 0 : i32
    %c0_i32_0 = arith.constant 0 : i32
    %c0_i32_1 = arith.constant 0 : i32
    return %c0_i32, %c0_i32_0 : i32, i32
  }
  func.func @transform_9(%arg0: i32) -> (i32, i32) {
    %c0_i32 = arith.constant 0 : i32
    %c0_i32_0 = arith.constant 0 : i32
    return %arg0, %c0_i32 : i32, i32
  }
  func.func @transform_10(%arg0: i32) -> (i32, i32, i32) {
    %c0_i32 = arith.constant 0 : i32
    %c0_i32_0 = arith.constant 0 : i32
    %c0_i32_1 = arith.constant 0 : i32
    return %arg0, %c0_i32, %c0_i32_0 : i32, i32, i32
  }
}

module attributes {stable_mosaic.version = 14 : i64} {
  func.func @_k3_body(%arg0: i32, %arg1: memref<1000x16xf32, #tpu.memory_space<vmem>>, %arg2: memref<1000x16xf32, #tpu.memory_space<vmem>>, %arg3: memref<1000x16xf32, #tpu.memory_space<vmem>>, %arg4: memref<1x16xf32, #tpu.memory_space<vmem>>, %arg5: memref<1x7xf32, #tpu.memory_space<vmem>>, %arg6: memref<1000x7xf32, #tpu.memory_space<vmem>>) attributes {dimension_semantics = [#tpu.dimension_semantics<arbitrary>], iteration_bounds = array<i64: 10>, scalar_prefetch = 0 : i64, scratch_operands = 0 : i64, tpu.core_type = #tpu.core_type<tc>, window_params = [{transform_indices = @transform_0, window_bounds = array<i64: 1000, 16>}, {transform_indices = @transform_1, window_bounds = array<i64: 1000, 16>}, {transform_indices = @transform_2, window_bounds = array<i64: 1000, 16>}, {pipeline_mode = #tpu.pipeline_mode<synchronous>, transform_indices = @transform_3, window_bounds = array<i64: 1, 16>}, {pipeline_mode = #tpu.pipeline_mode<synchronous>, transform_indices = @transform_4, window_bounds = array<i64: 1, 7>}, {transform_indices = @transform_5, window_bounds = array<i64: 1000, 7>}]} {
    %get3A = arith.constant 0 : index
    %get3A_0 = arith.constant 0 : index
    %get3A_1 = vector.load %arg3[%get3A, %get3A_0] : memref<1000x16xf32, #tpu.memory_space<vmem>>, vector<1000x16xf32>
    %slice3A = vector.extract_strided_slice %get3A_1 {offsets = [0, 0], sizes = [1000, 7], strides = [1, 1]} : vector<1000x16xf32> to vector<1000x7xf32>
    %slice3A_2 = vector.extract_strided_slice %get3A_1 {offsets = [0, 7], sizes = [1000, 1], strides = [1, 1]} : vector<1000x16xf32> to vector<1000x1xf32>
    %slice3A_3 = vector.extract_strided_slice %get3A_1 {offsets = [0, 8], sizes = [1000, 1], strides = [1, 1]} : vector<1000x16xf32> to vector<1000x1xf32>
    %get3A_4 = arith.constant 0 : index
    %get3A_5 = arith.constant 0 : index
    %get3A_6 = vector.load %arg4[%get3A_4, %get3A_5] : memref<1x16xf32, #tpu.memory_space<vmem>>, vector<1x16xf32>
    %slice3A_7 = vector.extract_strided_slice %get3A_6 {offsets = [0, 0], sizes = [1, 1], strides = [1, 1]} : vector<1x16xf32> to vector<1x1xf32>
    %squeeze3A = vector.extract %slice3A_7[0, 0] : f32 from vector<1x1xf32>
    %add3A = arith.addf %slice3A_2, %slice3A_3 : vector<1000x1xf32>
    %gt3A = arith.constant 0.000000e+00 : f32
    %gt3A_8 = vector.broadcast %gt3A : f32 to vector<1000x1xf32>
    %gt3A_9 = arith.cmpf ogt, %add3A, %gt3A_8 : vector<1000x1xf32>
    %mul3A = arith.constant 2.000000e-01 : f32
    %mul3A_10 = vector.broadcast %mul3A : f32 to vector<1000x1xf32>
    %mul3A_11 = arith.mulf %mul3A_10, %add3A : vector<1000x1xf32>
    %select_n3A = arith.select %gt3A_9, %add3A, %mul3A_11 : vector<1000x1xi1>, vector<1000x1xf32>
    %sub3A = vector.broadcast %squeeze3A : f32 to vector<1000x1xf32>
    %sub3A_12 = arith.subf %select_n3A, %sub3A : vector<1000x1xf32>
    %exp3A = math.exp %sub3A_12 : vector<1000x1xf32>
    %get3A_13 = arith.constant 0 : index
    %get3A_14 = arith.constant 0 : index
    %get3A_15 = vector.load %arg1[%get3A_13, %get3A_14] : memref<1000x16xf32, #tpu.memory_space<vmem>>, vector<1000x7xf32>
    %get3A_16 = arith.constant 0 : index
    %get3A_17 = arith.constant 0 : index
    %get3A_18 = vector.load %arg2[%get3A_16, %get3A_17] : memref<1000x16xf32, #tpu.memory_space<vmem>>, vector<1000x7xf32>
    %add3A_19 = arith.addf %get3A_15, %get3A_18 : vector<1000x7xf32>
    %mul3A_20 = vector.broadcast %exp3A : vector<1000x1xf32> to vector<1000x7xf32>
    %mul3A_21 = arith.mulf %slice3A, %mul3A_20 : vector<1000x7xf32>
    %add3A_22 = arith.addf %add3A_19, %mul3A_21 : vector<1000x7xf32>
    %get3A_23 = arith.constant 0 : index
    %get3A_24 = arith.constant 7 : index
    %get3A_25 = vector.load %arg1[%get3A_23, %get3A_24] : memref<1000x16xf32, #tpu.memory_space<vmem>>, vector<1000x1xf32>
    %get3A_26 = arith.constant 0 : index
    %get3A_27 = arith.constant 7 : index
    %get3A_28 = vector.load %arg2[%get3A_26, %get3A_27] : memref<1000x16xf32, #tpu.memory_space<vmem>>, vector<1000x1xf32>
    %add3A_29 = arith.addf %get3A_25, %get3A_28 : vector<1000x1xf32>
    %add3A_30 = arith.addf %add3A_29, %exp3A : vector<1000x1xf32>
    %add3A_31 = arith.constant 1.000000e-16 : f32
    %add3A_32 = vector.broadcast %add3A_31 : f32 to vector<1000x1xf32>
    %add3A_33 = arith.addf %add3A_30, %add3A_32 : vector<1000x1xf32>
    %div3A = vector.broadcast %add3A_33 : vector<1000x1xf32> to vector<1000x7xf32>
    %div3A_34 = arith.divf %add3A_22, %div3A : vector<1000x7xf32>
    %get3A_35 = arith.constant 0 : index
    %get3A_36 = arith.constant 0 : index
    %get3A_37 = vector.load %arg5[%get3A_35, %get3A_36] : memref<1x7xf32, #tpu.memory_space<vmem>>, vector<1x7xf32>
    %add3A_38 = vector.broadcast %get3A_37 : vector<1x7xf32> to vector<1000x7xf32>
    %add3A_39 = arith.addf %div3A_34, %add3A_38 : vector<1000x7xf32>
    %reduce_max3A = arith.constant dense<0xFF800000> : vector<1000xf32>
    %reduce_max3A_40 = vector.multi_reduction <maximumf>, %add3A_39, %reduce_max3A [1] : vector<1000x7xf32> to vector<1000xf32>
    %broadcast_in_dim3A = vector.shape_cast %reduce_max3A_40 : vector<1000xf32> to vector<1000x1xf32>
    %sub3A_41 = vector.broadcast %broadcast_in_dim3A : vector<1000x1xf32> to vector<1000x7xf32>
    %sub3A_42 = arith.subf %add3A_39, %sub3A_41 : vector<1000x7xf32>
    %exp3A_43 = math.exp %sub3A_42 : vector<1000x7xf32>
    %reduce_sum3A = arith.constant dense<0.000000e+00> : vector<1000xf32>
    %reduce_sum3A_44 = vector.multi_reduction <add>, %exp3A_43, %reduce_sum3A [1] : vector<1000x7xf32> to vector<1000xf32>
    %broadcast_in_dim3A_45 = vector.shape_cast %reduce_sum3A_44 : vector<1000xf32> to vector<1000x1xf32>
    %log3A = math.log %broadcast_in_dim3A_45 : vector<1000x1xf32>
    %sub3A_46 = vector.broadcast %log3A : vector<1000x1xf32> to vector<1000x7xf32>
    %sub3A_47 = arith.subf %sub3A_42, %sub3A_46 : vector<1000x7xf32>
    %swap3A = arith.constant 0 : index
    %swap3A_48 = arith.constant 0 : index
    %swap3A_49 = vector.load %arg6[%swap3A, %swap3A_48] : memref<1000x7xf32, #tpu.memory_space<vmem>>, vector<1000x7xf32>
    tpu.vector_store %arg6[%swap3A, %swap3A_48], %sub3A_47 {strides = array<i32>} : memref<1000x7xf32, #tpu.memory_space<vmem>>, vector<1000x7xf32>,
    return
  }
  func.func @transform_0(%arg0: i32) -> (i32, i32) {
    %c0_i32 = arith.constant 0 : i32
    %c0_i32_0 = arith.constant 0 : i32
    return %arg0, %c0_i32 : i32, i32
  }
  func.func @transform_1(%arg0: i32) -> (i32, i32) {
    %c0_i32 = arith.constant 0 : i32
    %c0_i32_0 = arith.constant 0 : i32
    return %arg0, %c0_i32 : i32, i32
  }
  func.func @transform_2(%arg0: i32) -> (i32, i32) {
    %c0_i32 = arith.constant 0 : i32
    %c0_i32_0 = arith.constant 0 : i32
    return %arg0, %c0_i32 : i32, i32
  }
  func.func @transform_3(%arg0: i32) -> (i32, i32) {
    %c0_i32 = arith.constant 0 : i32
    %c0_i32_0 = arith.constant 0 : i32
    %c0_i32_1 = arith.constant 0 : i32
    return %c0_i32, %c0_i32_0 : i32, i32
  }
  func.func @transform_4(%arg0: i32) -> (i32, i32) {
    %c0_i32 = arith.constant 0 : i32
    %c0_i32_0 = arith.constant 0 : i32
    %c0_i32_1 = arith.constant 0 : i32
    return %c0_i32, %c0_i32_0 : i32, i32
  }
  func.func @transform_5(%arg0: i32) -> (i32, i32) {
    %c0_i32 = arith.constant 0 : i32
    %c0_i32_0 = arith.constant 0 : i32
    return %arg0, %c0_i32 : i32, i32
  }
}

</mosaic_0001>

<sc_bundles>
// kernel: kernel.10.cloned.1.call-start
scs
__scs_entry_jumppad:
0x0: {  	(pc) =	sbr.rel $0x88, $3  }
0x1: {  	(tag) =	ssettag $0x0;
	lr =	simm.s32 $0x1  }
0x2: {  	[smem:$0x3F97] =	sst lr;
	_ =	strace $0xD0000000  }
0x3: {  	_ = 	snop  }
0x4: {  	_ = 	snop  }
0x5: {  	_ = 	snop  }
0x6: {  	_ = 	snop  }
0x7: {  	_ = 	snop  }
__scs_overlays_trampoline_lowered:
0x8: {  	[smem:$0x3FA6] =	sst s0  }
0x9: {  	[smem:$0x3FA7] =	sst s1  }
0xa: {  	[smem:$0x3FA8] =	sst s2  }
0xb: {  	[smem:$0x3FA9] =	sst s3  }
0xc: {  	[smem:$0x3FAA] =	sst s4  }
0xd: {  	[smem:$0x3FAB] =	sst s5  }
0xe: {  	[smem:$0x3FAC] =	sst s6  }
0xf: {  	[smem:$0x3FAD] =	sst s7  }
0x10: {  	[smem:$0x3FAE] =	sst s8  }
0x11: {  	[smem:$0x3FAF] =	sst s9;
	s0 =	simm.s32 @!p0 $0x0  }
0x12: {  	s1 =	sld [smem:$0x3F95];
	s0 =	simm.s32 @p0 $0x1  }
0x13: {  	[smem:$0x3FB0] =	sst s0;
	s0 =	simm.s32 @!p1 $0x0  }
0x14: {  	s2 =	sld [smem:$0x3F94];
	s0 =	simm.s32 @p1 $0x1  }
0x15: {  	[smem:$0x3FB1] =	sst s0;
	s0 =	simm.s32 @!p2 $0x0  }
0x16: {  	s3 =	sld [smem:$0x3FDB];
	s0 =	simm.s32 @p2 $0x1  }
0x17: {  	s4 =	simm.s32 $0x1BF5;
	[smem:$0x3FB3] =	sst s0  }
0x18: {  	s0 =	sld [smem:$0x3F96];
	_ =	swait.ge [sflag:s4], $0x0  }
0x19: {  	s7 =	sld [smem:$0x3F97]  }
0x1a: {  	s8 =	sadd.s32 $0xFFFFE003, lr  }
0x1b: {  	s9 =	sadd.s32 $0xFFFFFEF7, lr;
	s5 =	simm.s32 $0xFFFFFFFF;
	p2 =	slt.u32 s8, $0xFFFFF086  }
0x1c: {  	p1 =	slt.u32 s9, $0xF7A;
	s5 =	simm.s32 @!p2 $0x0  }
0x1d: {  	s5 =	simm.s32 @p1 $0x1;
	p0 =	seq.s32 s7, s2  }
0x1e: {  	s7 =	smul.u32 @!p0 $0xF7A, s2;
	p2 =	seq.s32 @!p0 s5, $0x0  }
0x1f: {  	s9 =	smul.u32 $0xF7A, s1;
	s8 =	simm.s32 @!p0 $0x1BF5;
	p2 =	por !p2, p0  }
0x20: {  	[sflag:s8] =	ssyncset.s32 @!p0 $0xFFFFF086;
	s6 =	sadd.s32 @!p0 s3, s7;
	s7 =	simm.s32 @!p0 $0x108  }
0x21: {  	s3 =	sadd.s32 s3, s9;
	s6 =	sadd.s32 @!p0 $0x88, s6;
	s7 =	simm.s32 @p2 $0x1082  }
0x22: {  	[simem:s7], [sflag:s8] =	dma.local @!p0 [hbm:s6], $0xF7A  }
0x23: {  	s9 =	sor.u32 $0xD0000000, s2;
	s6 =	simm.s32 $0x108;
	_ =	swait.ge @!p0 [sflag:s8], $0x0  }
0x24: {  	s3 =	sadd.s32 $0x88, s3;
	s6 =	simm.s32 @!p1 $0x1082;
	[sflag:s4] =	ssyncset.s32 $0xFFFFF086  }
0x25: {  	[simem:s6], [sflag:s4] =	dma.local [hbm:s3], $0xF7A  }
0x26: {  	[smem:$0x3F97] =	sst s1;
	(tag) =	ssettag s2;
	_ =	strace s9  }
0x27: {  	s1 =	sld [smem:$0x3FA7]  }
0x28: {  	s2 =	sld [smem:$0x3FA8]  }
0x29: {  	s4 =	sld [smem:$0x3FAA]  }
0x2a: {  	p0 =	seq.s32 s5, $0x0;
	s5 =	sld [smem:$0x3FAB]  }
0x2b: {  	s6 =	sld [smem:$0x3FAC]  }
0x2c: {  	s7 =	sld [smem:$0x3FAD]  }
0x2d: {  	s3 =	simm.s32 $0x108;
	s8 =	sld [smem:$0x3FAE]  }
0x2e: {  	s3 =	simm.s32 @!p0 $0x1082;
	s9 =	sld [smem:$0x3FAF]  }
0x2f: {  	lr =	sadd.s32 s0, s3;
	s0 =	sld [smem:$0x3FA6]  }
0x30: {  	s3 =	sld [smem:$0x3FA9]  }
0x31: {  	[smem:$0x3FB2] =	sst s10  }
0x32: {  	s10 =	sld [smem:$0x3FB0];
	_ =	sdelay $0x3  }
0x33: {  	p0 =	seq.s32 s10, $0x1;
	s10 =	sld [smem:$0x3FB2];
	_ =	sdelay $0x3  }
0x34: {  	[smem:$0x3FB2] =	sst s10  }
0x35: {  	s10 =	sld [smem:$0x3FB1];
	_ =	sdelay $0x3  }
0x36: {  	p1 =	seq.s32 s10, $0x1;
	s10 =	sld [smem:$0x3FB2];
	_ =	sdelay $0x3  }
0x37: {  	[smem:$0x3FB2] =	sst s10  }
0x38: {  	s10 =	sld [smem:$0x3FB3]  }
0x39: {  	_ = 	snop;
	(pc) =	sbr.ind lr, $3  }
0x3a: {  	_ = 	snop  }
0x3b: {  	_ = 	snop  }
0x3c: {  	p2 =	seq.s32 s10, $0x1;
	s10 =	sld [smem:$0x3FB2]  }
0x3d: {  	_ =	shalt  }
0x3e: {  	_ =	shalt  }
0x3f: {  	_ =	shalt  }
0x40: {  	_ =	shalt  }
0x41: {  	_ =	shalt  }
0x42: {  	_ =	shalt  }
0x43: {  	_ =	shalt  }
0x44: {  	_ =	shalt  }
0x45: {  	_ =	shalt  }
0x46: {  	_ =	shalt  }
0x47: {  	_ =	shalt  }
0x48: {  	_ =	shalt  }
0x49: {  	_ =	shalt  }
0x4a: {  	_ =	shalt  }
0x4b: {  	_ =	shalt  }
0x4c: {  	_ =	shalt  }
0x4d: {  	_ =	shalt  }
0x4e: {  	_ =	shalt  }
0x4f: {  	_ =	shalt  }
0x50: {  	_ =	shalt  }
0x51: {  	_ =	shalt  }
0x52: {  	_ =	shalt  }
0x53: {  	_ =	shalt  }
0x54: {  	_ =	shalt  }
0x55: {  	_ =	shalt  }
0x56: {  	_ =	shalt  }
0x57: {  	_ =	shalt  }
0x58: {  	_ =	shalt  }
0x59: {  	_ =	shalt  }
0x5a: {  	_ =	shalt  }
0x5b: {  	_ =	shalt  }
0x5c: {  	_ =	shalt  }
0x5d: {  	_ =	shalt  }
0x5e: {  	_ =	shalt  }
0x5f: {  	_ =	shalt  }
0x60: {  	_ =	shalt  }
0x61: {  	_ =	shalt  }
0x62: {  	_ =	shalt  }
0x63: {  	_ =	shalt  }
0x64: {  	_ =	shalt  }
0x65: {  	_ =	shalt  }
0x66: {  	_ =	shalt  }
0x67: {  	_ =	shalt  }
0x68: {  	_ =	shalt  }
0x69: {  	_ =	shalt  }
0x6a: {  	_ =	shalt  }
0x6b: {  	_ =	shalt  }
0x6c: {  	_ =	shalt  }
0x6d: {  	_ =	shalt  }
0x6e: {  	_ =	shalt  }
0x6f: {  	_ =	shalt  }
0x70: {  	_ =	shalt  }
0x71: {  	_ =	shalt  }
0x72: {  	_ =	shalt  }
0x73: {  	_ =	shalt  }
0x74: {  	_ =	shalt  }
0x75: {  	_ =	shalt  }
0x76: {  	_ =	shalt  }
0x77: {  	_ =	shalt  }
0x78: {  	_ =	shalt  }
0x79: {  	_ =	shalt  }
0x7a: {  	_ =	shalt  }
0x7b: {  	_ =	shalt  }
0x7c: {  	_ =	shalt  }
0x7d: {  	_ =	shalt  }
0x7e: {  	_ =	shalt  }
0x7f: {  	_ =	shalt  }
0x80: {  	_ =	shalt  }
0x81: {  	_ =	shalt  }
0x82: {  	_ =	shalt  }
0x83: {  	_ =	shalt  }
0x84: {  	_ =	shalt  }
0x85: {  	_ =	shalt  }
0x86: {  	_ =	shalt  }
0x87: {  	_ =	shalt  }
.Lfunc_end0:
.L_simem_size_0:
called_computation.1_lowered:
.L_overlay_start_0:
0x88: {  	s2 =	sld [smem:$0x3FD9]  }
0x89: {  	s3 =	sld [smem:$0x3FFE];
	_ =	sdelay $0x1  }
0x8a: {  	s1 =	srdreg.scid  }
0x8b: {  	s0 =	sand.u32 $0x1, s1  }
0x8c: {  	s17 =	sshll.u32 s0, $0xA;
	s2 =	sadd.s32 s3, s2  }
0x8d: {  	s2 =	sadd.s32 s2, s17  }
0x8e: {  	[smem:$0x3FBE] =	sst s2  }
0x8f: {  	_ = 	snop  }
0x90: {  	s2 =	sld [smem:$0x3FD0];
	(tm) =	ssettm $0x1  }
0x91: {  	s18 =	sld [smem:$0x3FFB];
	_ =	sdelay $0x3  }
0x92: {  	_ =	strace s18  }
0x93: {  	s3 =	sld [smem:$0x3FFC];
	_ =	sdelay $0x3  }
0x94: {  	_ =	strace s3  }
0x95: {  	s3 =	sld [smem:$0x3FFD];
	_ =	sdelay $0x3  }
0x96: {  	_ =	strace s3  }
0x97: {  	_ =	strace $0x8FFFFFFF  }
0x98: {  	s19 =	sld [smem:$0x3FDB];
	_ =	sdelay $0x1  }
0x99: {  	s4 =	simm.s32 $_scs_section_size  }
0x9a: {  	s5 =	simm.s32 $_size__tile_overlayer_lowered;
	s6 =	simm.s32 $_tile_overlayer_lowered  }
0x9b: {  	s22 =	simm.s32 $0x1BFF;
	s21 =	sshll.u32 s6, $0x1;
	s3 =	sadd.s32 s4, s19  }
0x9c: {  	s7 =	simm.s32 $0x0;
	s20 =	sshll.u32 s5, $0x1;
	s5 =	sadd.s32 s21, s3  }
0x9d: {  	[timem:s7], [sflag:s22] =	dma.local [hbm:s5], s20  }
0x9e: {  	_ =	swait.ge [sflag:s22], s20  }
0x9f: {  	s4 =	ssub.s32 $0x0, s20;
	[sflag:s22] =	ssyncset.done $0x0  }
0xa0: {  	[sflag:s22] =	ssyncadd.s32 s4;
	_ =	sdelay $0x1  }
0xa1: {  	s23 =	simm.s32 $0x1B8B  }
0xa2: {  	_ =	swait.ge [sflag:s23], $0x1  }
0xa3: {  	[sflag:s23] =	ssyncset.done $0x0  }
0xa4: {  	s25 =	simm.s32 $0x1B8E;
	s24 =	sld [smem:$0x3FFE];
	[sflag:s23] =	ssyncadd.s32 $0xFFFFFFFF  }
0xa5: {  	s26 =	simm.s32 $execute0_lowered;
	[smem:$0x3FD2] =	sst s25  }
0xa6: {  	s5 =	sshll.u32 s26, $0x1;
	_ =	strace $0x80000049;
	[dreg:$0x1] =	wrdreg $0xFFFFFFFF  }
0xa7: {  	s28 =	simm.s32 $_size_execute0_lowered;
	s3 =	sadd.s32 s3, s5;
	[dreg:$0x0] =	wrdreg $0x0  }
0xa8: {  	s5 =	sshll.u32 s28, $0x1;
	[dreg:$0x2] =	wrdreg s3  }
0xa9: {  	[dreg:$0x3] =	wrdreg s5  }
0xaa: {  	[dreg:$0x4] =	wrdreg $0xC0  }
0xab: {  	_ =	task [dreg:s7], $0x5FFFF  }
0xac: {  	[dreg:$0x1] =	wrdreg $0xFFFFFFFF  }
0xad: {  	[dreg:$0x0] =	wrdreg $0x60  }
0xae: {  	[dreg:$0x2] =	wrdreg s24  }
0xaf: {  	[dreg:$0x3] =	wrdreg s2  }
0xb0: {  	[dreg:$0x4] =	wrdreg $0x69F00  }
0xb1: {  	[dreg:$0x5] =	wrdreg $0x9  }
0xb2: {  	_ =	task.clear_ibuf [dreg:s7], $0x6FFFF;
	_ =	strace $0x90000049  }
0xb3: {  	s29 =	simm.s32 $0x9;
	_ =	strace $0x8000004B  }
0xb4: {  	_ =	swait.ge [sflag:s29], $0x1  }
0xb5: {  	[sflag:s29] =	ssyncadd.s32 $0xFFFFFFFF  }
0xb6: {  	_ =	strace $0x9000004B  }
0xb7: {  	_ =	sfence  }
0xb8: {  	s30 =	sld [smem:$0x0];
	_ =	sdelay $0x2  }
0xb9: {  	s31 =	sshll.u32 s1, $0xD;
	s1 =	sshrl.u32 s1, $0x2  }
0xba: {  	s3 =	sand.u32 $0x4000, s31;
	s1 =	sadd.s32 s1, s30  }
0xbb: {  	s0 =	sor.u32 s3, s0;
	s1 =	sshll.u32 s1, $0x11  }
0xbc: {  	s0 =	sor.u32 s1, s0  }
0xbd: {  	s0 =	sadd.s32 $0x8F2B, s0  }
0xbe: {  	[sflag:s0] =	ssyncadd.remote.s32 $0x1  }
0xbf: {  	_ =	sfence.sel $0xFFFF  }
0xc0: {  	[dreg:$0x0] =	wrdreg $0xFFFFFFFF;
	(pc) =	sbr.abs _section_cstart, $3  }
0xc1: {  	[dreg:$0x1] =	wrdreg $0xFFFFFFFF  }
0xc2: {  	_ =	task.clear_ibuf [dreg:s7], $0x2FFFF;
	_ =	strace $0x9FFFFFFF  }
0xc3: {  	(tm) =	ssettm $0x7FFFFFFF  }
tec
execute0_lowered:
.L_overlay_start_1:
0x0: {  	(tag) =	ssettag $0x1  }
0x1: {  	s7 =	rddreg [dreg:$0x0]  }
0x2: {  	s2 =	rddreg [dreg:$0x1]  }
0x3: {  	s0 =	srdreg.scid;
	s3 =	rddreg [dreg:$0x2]  }
0x4: {  	s4 =	simm.s32 $0x0;
	s15 =	simm.s32 $0x3;
	s16 =	simm.s32 $0x6000  }
0x5: {  	s17 =	simm.s32 $0x2800;
	s18 =	simm.s32 $0x80;
	s19 =	simm.s32 $0x5000  }
0x6: {  	s20 =	simm.s32 $0x5800;
	s6 =	sand.u32 $0x1, s0;
	s0 =	stileid.u32  }
0x7: {  	s21 =	simm.s32 $0x1;
	s22 =	simm.s32 $0x2;
	s9 =	smul.u32 $0x2780, s0  }
0x8: {  	[smem:$0x7FF] =	sst s4;
	s1 =	sshll.u32 s6, $0x4;
	s10 =	smul.u32 $0x27800, s6  }
0x9: {  	s11 =	smul.u32 $0x9E00, s0;
	s6 =	ssub.s32 $0x2, s6;
	s1 =	sor.u32 s0, s1  }
0xa: {  	s5 =	sadd.s32 $0x600, s7;
	s31 =	sshrl.u32 s6, $0x1;
	s8 =	smul.u32 $0x500, s1  }
0xb: {  	s1 =	rddreg [dreg:$0x3];
	_ =	strace $0x8000004A;
	s29 =	sadd.s32 s9, s10  }
0xc: {  	s30 =	sshrl.u32 s11, $0x2;
	s14 =	ssub.s32 s6, s31;
	s6 =	sadd.s32 s9, s3  }
0xd: {  	s10 =	sadd.s32 s30, s3;
	s12 =	sadd.s32 s8, s7;
	s8 =	sshrl.u32 s29, $0x3  }
0xe: {  	s9 =	sadd.s32 $0x1DA0, s10;
	s13 =	sadd.s32 s8, s7;
	s7 =	sadd.s32 $0x9E0, s10  }
0xf: {  	v0 =	vimm.f32 $0.0e+00;
	v1 =	vimm.s32 $0x7;
	vm0 =	vcmask $0x1F1C;
	s8 =	sadd.s32 $0x13C0, s10;
	s10 =	sadd.s32 $0x1DE00, s12;
	s11 =	sadd.s32 $0x27E00, s12  }
0x10: {  	v2 =	vimm.s32 $0x8;
	v3 =	vsel vm0, $0x3F800000, v0;
	vm0 =	vmmov $0x7f;
	s12 =	sadd.s32 $0x5600, s13;
	s13 =	smax.u32 s14, $0x1;
	s14 =	simm.s32 $0x6010  }
.LBB2_1:
0x11: {  	s23 =	simm.s32 $0x40;
	s24 =	simm.s32 $0x0  }
.LBB2_2:
0x12: {  	p0 =	sne.s32 s23, $0x2740;
	[tilespmem:s24+$0x6010] =	vst v0;
	s24 =	smov.u32 s23;
	s23 =	sadd.s32 $0x40, s23  }
.Ltmp0:
0x13: {  	(pc) =	sbr.rel @p0 .LBB2_2-.Ltmp0, $2  }
0x14: {  	_ =	sdelay $0x2  }
0x15: {  	s24 =	sshra.s32 s24, $0x2  }
0x16: {  	[tilespmem:s24+$0x6010] =	vst v0  }
0x17: {  	[spmem:s6] =	stream.linear.scatter [tilespmem:s14], [sflag:$0x3], $0x9E0, $0x38;
	[tilespmem:$0x9170] =	vst v63  }
0x18: {  	_ =	swait.ge [sflag:s15], $0x9E0  }
0x19: {  	[sflag:s15] =	ssyncset.done $0x0  }
0x1a: {  	[sflag:s15] =	ssyncadd.s32 $0xFFFFF620  }
0x1b: {  	[spmem:s7] =	stream.linear.scatter [tilespmem:s14], [sflag:$0x3], $0x9E0, $0x38;
	[tilespmem:$0x9170] =	vst v63  }
0x1c: {  	_ =	swait.ge [sflag:s15], $0x9E0  }
0x1d: {  	[sflag:s15] =	ssyncset.done $0x0  }
0x1e: {  	[sflag:s15] =	ssyncadd.s32 $0xFFFFF620  }
0x1f: {  	[spmem:s8] =	stream.linear.scatter [tilespmem:s14], [sflag:$0x3], $0x9E0, $0x38;
	[tilespmem:$0x9170] =	vst v63  }
0x20: {  	_ =	swait.ge [sflag:s15], $0x9E0  }
0x21: {  	[sflag:s15] =	ssyncset.done $0x0  }
0x22: {  	[sflag:s15] =	ssyncadd.s32 $0xFFFFF620  }
0x23: {  	[spmem:s9] =	stream.linear.scatter [tilespmem:s14], [sflag:$0x3], $0x9E0, $0x38;
	[tilespmem:$0x9170] =	vst v63  }
0x24: {  	_ =	swait.ge [sflag:s15], $0x9E0  }
0x25: {  	[sflag:s15] =	ssyncset.done $0x0  }
0x26: {  	s23 =	simm.s32 $0x0;
	[sflag:s15] =	ssyncadd.s32 $0xFFFFF620  }
0x27: {  	[tilespmem:s16], [sflag:$0x3] =	stream.linear.gather [hbm4b:s2+s23], $0x10, $0x38;
	[tilespmem:$0x9170] =	vst v63  }
0x28: {  	_ =	swait.ge [sflag:s15], $0x10  }
0x29: {  	[sflag:s15] =	ssyncset.done $0x0  }
0x2a: {  	[sflag:s15] =	ssyncadd.s32 $0xFFFFFFF0  }
0x2b: {  	[tilespmem:s23], [sflag:$0x3] =	stream.linear.gather [hbm4b:s10+s23], $0x2800, $0x38;
	[tilespmem:$0x9170] =	vst v63  }
0x2c: {  	_ =	swait.ge [sflag:s15], $0x2800  }
0x2d: {  	[sflag:s15] =	ssyncset.done $0x0  }
0x2e: {  	[sflag:s15] =	ssyncadd.s32 $0xFFFFD800  }
0x2f: {  	[tilespmem:s17], [sflag:$0x3] =	stream.linear.gather [hbm4b:s11+s23], $0x2800, $0x38;
	[tilespmem:$0x9170] =	vst v63  }
0x30: {  	_ =	swait.ge [sflag:s15], $0x2800  }
0x31: {  	[sflag:s15] =	ssyncset.done $0x0  }
0x32: {  	[sflag:s15] =	ssyncadd.s32 $0xFFFFD800  }
0x33: {  	v4 =	vld [tilespmem:$0x6000];
	[bflag:$0x0] =	sbarrier.arrive $0xFFFF  }
.LBB2_4:
0x34: {  	s24 =	sshll.u32 s23, $0x7  }
0x35: {  	[tilespmem:s19], [sflag:$0x1] =	stream.indirect.gather [hbm4b:s5+s18], $0x10, s24, s18, $0xb8;
	[tilespmem:$0x9170] =	vst v63  }
0x36: {  	s24 =	sadd.s32 $0x2800, s24  }
0x37: {  	[tilespmem:s20], [sflag:$0x2] =	stream.indirect.gather [hbm4b:s5+s18], $0x10, s24, s18, $0xb8;
	[tilespmem:$0x9170] =	vst v63  }
0x38: {  	_ =	swait.ge [sflag:s21], $0x800  }
0x39: {  	[sflag:s21] =	ssyncset.done $0x0  }
0x3a: {  	[sflag:s21] =	ssyncadd.s32 $0xFFFFF800  }
0x3b: {  	_ =	swait.ge [sflag:s22], $0x800  }
0x3c: {  	[sflag:s22] =	ssyncset.done $0x0  }
0x3d: {  	s25 =	simm.s32 $0x0;
	[sflag:s22] =	ssyncadd.s32 $0xFFFFF800  }
0x3e: {  	s26 =	simm.s32 $0x40;
	v5 =	vld [tilespmem:s25+$0x5800]  }
.LBB2_5:
0x3f: {  	p0 =	sne.s32 s26, $0x1FC0;
	v6 =	vld [tilespmem:s25+$0x5000];
	_ =	sdelay $0x4  }
0x40: {  	v5 =	vperm.xlane v5, v2;
	v7 =	vperm.xlane v6, v1;
	_ =	sdelay $0x1  }
0x41: {  	v5 =	vadd.f32 v5, v7;
	_ =	sdelay $0x1  }
0x42: {  	v7 =	vmul.f32 $2.000000030e-01, v5  }
0x43: {  	vm1 =	vgt.f32 v5, $0.0e+00  }
0x44: {  	v5 =	vsel vm1, v5, v7  }
0x45: {  	v5 =	vsub.f32 v5, v4;
	_ =	sdelay $0x1  }
0x46: {  	v5 =	vmul.f32 $1.442695020e+00, v5;
	_ =	sdelay $0x1  }
0x47: {  	(erf) = vpow2.f32 v5;
	_ =	sdelay $0x7  }
.Ltmp1:
0x48: {  	(pc) =	sbr.rel @p0 .LBB2_5-.Ltmp1, $4  }
0x49: {  	v5 =	vsel vm0, v6, v3;
	v6 =	vpop (erf)  }
0x4a: {  	v6 =	vmul.f32 v6, v5  }
0x4b: {  	s28 =	sshra.s32 s26, $0x2  }
0x4c: {  	s26 =	sadd.s32 $0x40, s26;
	v5 =	vld [tilespmem:s28+$0x5800];
	[tilespmem:s25+$0x5000] =	vst v6;
	s25 =	smov.u32 s28  }
0x4d: {  	v6 =	vld [tilespmem:s25+$0x5000];
	_ =	sdelay $0x4  }
0x4e: {  	v5 =	vperm.xlane v5, v2;
	v7 =	vperm.xlane v6, v1;
	_ =	sdelay $0x1  }
0x4f: {  	v5 =	vadd.f32 v5, v7;
	_ =	sdelay $0x1  }
0x50: {  	v7 =	vmul.f32 $2.000000030e-01, v5  }
0x51: {  	vm1 =	vgt.f32 v5, $0.0e+00  }
0x52: {  	v5 =	vsel vm1, v5, v7  }
0x53: {  	v5 =	vsub.f32 v5, v4;
	_ =	sdelay $0x1  }
0x54: {  	v5 =	vmul.f32 $1.442695020e+00, v5;
	_ =	sdelay $0x1  }
0x55: {  	(erf) = vpow2.f32 v5;
	_ =	sdelay $0x8  }
0x56: {  	v5 =	vsel vm0, v6, v3;
	v6 =	vpop (erf)  }
0x57: {  	s23 =	sadd.s32 $0x1, s23;
	v5 =	vmul.f32 v6, v5  }
0x58: {  	p0 =	sne.s32 s23, $0x50  }
.Ltmp2:
0x59: {  	[tilespmem:s25+$0x5000] =	vst v5;
	(pc) =	sbr.rel @p0 .LBB2_4-.Ltmp2, $4  }
0x5a: {  	[spmem:s3] =	stream.indirect.scatter.add.f32 [tilespmem:s19], [sflag:$0x3], $0x10, s24, s18, $0xb8;
	[tilespmem:$0x9170] =	vst v63  }
0x5b: {  	_ =	swait.ge [sflag:s15], $0x800  }
0x5c: {  	[sflag:s15] =	ssyncset.done $0x0  }
0x5d: {  	[sflag:s15] =	ssyncadd.s32 $0xFFFFF800  }
0x5e: {  	s4 =	sadd.s32 $0x1, s4  }
0x5f: {  	s23 =	sshll.u32 s0, $0x6;
	[bflag:$0x0] =	sbarrier.arrive $0xFFFF;
	p0 =	sne.s32 s4, s13  }
.Ltmp3:
0x60: {  	s24 =	sshrl.u32 s6, $0x3;
	s23 =	sor.u32 $0x1C03, s23;
	(pc) =	sbr.rel @p0 .LBB2_1-.Ltmp3, $4  }
0x61: {  	[hbm:s12], [sflag:s23] =	dma.local [spmem:s24], $0x4F0  }
0x62: {  	_ =	swait.ge [sflag:s15], $0x4F0  }
0x63: {  	[sflag:s15] =	ssyncset.done $0x0  }
0x64: {  	[sflag:s15] =	ssyncadd.s32 $0xFFFFFB10  }
0x65: {  	_ =	sfence.sel $0x180000  }
0x66: {  	[bflag:$0x0] =	sbarrier.arrive $0xFFFF  }
0x67: {  	p0 =	sne.s32 s0, $0x0;
	_ =	strace $0x9000004A  }
0x68: {  	s0 =	sadd.s32 @!p0 $0x100000, s1;
	[bflag:$0x2] =	sbarrier.arrive $0xFFFF  }
0x69: {  	[sflag:s0] =	ssyncadd.tile.s32 @!p0 $0x1;
	_ =	shalt  }
.Lfunc_end2:
_tile_overlayer_lowered:
.L_overlay_start_2:
0x6a: {  	(tag) =	ssettag $0x2  }
0x6b: {  	s0 =	rddreg [dreg:$0x0];
	s2 =	stileid.u32  }
0x6c: {  	s1 =	rddreg [dreg:$0x1];
	p0 =	sne.s32 s2, $0x0  }
0x6d: {  	s3 =	rddreg [dreg:$0x2];
	[bflag:$0x3] =	sbarrier.arrive $0xFFFF;
	s2 =	simm.s32 @!p0 $0x1C03  }
0x6e: {  	[timem:s3], [sflag:s2] =	dma.local @!p0 [hbm:s0], s1  }
0x6f: {  	s0 =	simm.s32 @!p0 $0x3  }
0x70: {  	_ =	swait.ge @!p0 [sflag:s0], s1  }
0x71: {  	s1 =	ssub.s32 @!p0 $0x0, s1;
	[sflag:s0] =	ssyncset.done @!p0 $0x0  }
0x72: {  	[sflag:s0] =	ssyncadd.s32 @!p0 s1  }
0x73: {  	[bflag:$0x3] =	sbarrier.arrive $0xFFFF  }
0x74: {  	_ =	shalt  }

// kernel: kernel.7.cloned.1.call-start
scs
__scs_entry_jumppad:
0x0: {  	(pc) =	sbr.rel $0x88, $3  }
0x1: {  	(tag) =	ssettag $0x0;
	lr =	simm.s32 $0x1  }
0x2: {  	[smem:$0x3F97] =	sst lr;
	_ =	strace $0xD0000000  }
0x3: {  	_ = 	snop  }
0x4: {  	_ = 	snop  }
0x5: {  	_ = 	snop  }
0x6: {  	_ = 	snop  }
0x7: {  	_ = 	snop  }
__scs_overlays_trampoline_lowered:
0x8: {  	[smem:$0x3FA6] =	sst s0  }
0x9: {  	[smem:$0x3FA7] =	sst s1  }
0xa: {  	[smem:$0x3FA8] =	sst s2  }
0xb: {  	[smem:$0x3FA9] =	sst s3  }
0xc: {  	[smem:$0x3FAA] =	sst s4  }
0xd: {  	[smem:$0x3FAB] =	sst s5  }
0xe: {  	[smem:$0x3FAC] =	sst s6  }
0xf: {  	[smem:$0x3FAD] =	sst s7  }
0x10: {  	[smem:$0x3FAE] =	sst s8  }
0x11: {  	[smem:$0x3FAF] =	sst s9;
	s0 =	simm.s32 @!p0 $0x0  }
0x12: {  	s1 =	sld [smem:$0x3F95];
	s0 =	simm.s32 @p0 $0x1  }
0x13: {  	[smem:$0x3FB0] =	sst s0;
	s0 =	simm.s32 @!p1 $0x0  }
0x14: {  	s2 =	sld [smem:$0x3F94];
	s0 =	simm.s32 @p1 $0x1  }
0x15: {  	[smem:$0x3FB1] =	sst s0;
	s0 =	simm.s32 @!p2 $0x0  }
0x16: {  	s3 =	sld [smem:$0x3FDB];
	s0 =	simm.s32 @p2 $0x1  }
0x17: {  	s4 =	simm.s32 $0x1BF5;
	[smem:$0x3FB3] =	sst s0  }
0x18: {  	s0 =	sld [smem:$0x3F96];
	_ =	swait.ge [sflag:s4], $0x0  }
0x19: {  	s7 =	sld [smem:$0x3F97]  }
0x1a: {  	s8 =	sadd.s32 $0xFFFFE003, lr  }
0x1b: {  	s9 =	sadd.s32 $0xFFFFFEF7, lr;
	s5 =	simm.s32 $0xFFFFFFFF;
	p2 =	slt.u32 s8, $0xFFFFF086  }
0x1c: {  	p1 =	slt.u32 s9, $0xF7A;
	s5 =	simm.s32 @!p2 $0x0  }
0x1d: {  	s5 =	simm.s32 @p1 $0x1;
	p0 =	seq.s32 s7, s2  }
0x1e: {  	s7 =	smul.u32 @!p0 $0xF7A, s2;
	p2 =	seq.s32 @!p0 s5, $0x0  }
0x1f: {  	s9 =	smul.u32 $0xF7A, s1;
	s8 =	simm.s32 @!p0 $0x1BF5;
	p2 =	por !p2, p0  }
0x20: {  	[sflag:s8] =	ssyncset.s32 @!p0 $0xFFFFF086;
	s6 =	sadd.s32 @!p0 s3, s7;
	s7 =	simm.s32 @!p0 $0x108  }
0x21: {  	s3 =	sadd.s32 s3, s9;
	s6 =	sadd.s32 @!p0 $0x88, s6;
	s7 =	simm.s32 @p2 $0x1082  }
0x22: {  	[simem:s7], [sflag:s8] =	dma.local @!p0 [hbm:s6], $0xF7A  }
0x23: {  	s9 =	sor.u32 $0xD0000000, s2;
	s6 =	simm.s32 $0x108;
	_ =	swait.ge @!p0 [sflag:s8], $0x0  }
0x24: {  	s3 =	sadd.s32 $0x88, s3;
	s6 =	simm.s32 @!p1 $0x1082;
	[sflag:s4] =	ssyncset.s32 $0xFFFFF086  }
0x25: {  	[simem:s6], [sflag:s4] =	dma.local [hbm:s3], $0xF7A  }
0x26: {  	[smem:$0x3F97] =	sst s1;
	(tag) =	ssettag s2;
	_ =	strace s9  }
0x27: {  	s1 =	sld [smem:$0x3FA7]  }
0x28: {  	s2 =	sld [smem:$0x3FA8]  }
0x29: {  	s4 =	sld [smem:$0x3FAA]  }
0x2a: {  	p0 =	seq.s32 s5, $0x0;
	s5 =	sld [smem:$0x3FAB]  }
0x2b: {  	s6 =	sld [smem:$0x3FAC]  }
0x2c: {  	s7 =	sld [smem:$0x3FAD]  }
0x2d: {  	s3 =	simm.s32 $0x108;
	s8 =	sld [smem:$0x3FAE]  }
0x2e: {  	s3 =	simm.s32 @!p0 $0x1082;
	s9 =	sld [smem:$0x3FAF]  }
0x2f: {  	lr =	sadd.s32 s0, s3;
	s0 =	sld [smem:$0x3FA6]  }
0x30: {  	s3 =	sld [smem:$0x3FA9]  }
0x31: {  	[smem:$0x3FB2] =	sst s10  }
0x32: {  	s10 =	sld [smem:$0x3FB0];
	_ =	sdelay $0x3  }
0x33: {  	p0 =	seq.s32 s10, $0x1;
	s10 =	sld [smem:$0x3FB2];
	_ =	sdelay $0x3  }
0x34: {  	[smem:$0x3FB2] =	sst s10  }
0x35: {  	s10 =	sld [smem:$0x3FB1];
	_ =	sdelay $0x3  }
0x36: {  	p1 =	seq.s32 s10, $0x1;
	s10 =	sld [smem:$0x3FB2];
	_ =	sdelay $0x3  }
0x37: {  	[smem:$0x3FB2] =	sst s10  }
0x38: {  	s10 =	sld [smem:$0x3FB3]  }
0x39: {  	_ = 	snop;
	(pc) =	sbr.ind lr, $3  }
0x3a: {  	_ = 	snop  }
0x3b: {  	_ = 	snop  }
0x3c: {  	p2 =	seq.s32 s10, $0x1;
	s10 =	sld [smem:$0x3FB2]  }
0x3d: {  	_ =	shalt  }
0x3e: {  	_ =	shalt  }
0x3f: {  	_ =	shalt  }
0x40: {  	_ =	shalt  }
0x41: {  	_ =	shalt  }
0x42: {  	_ =	shalt  }
0x43: {  	_ =	shalt  }
0x44: {  	_ =	shalt  }
0x45: {  	_ =	shalt  }
0x46: {  	_ =	shalt  }
0x47: {  	_ =	shalt  }
0x48: {  	_ =	shalt  }
0x49: {  	_ =	shalt  }
0x4a: {  	_ =	shalt  }
0x4b: {  	_ =	shalt  }
0x4c: {  	_ =	shalt  }
0x4d: {  	_ =	shalt  }
0x4e: {  	_ =	shalt  }
0x4f: {  	_ =	shalt  }
0x50: {  	_ =	shalt  }
0x51: {  	_ =	shalt  }
0x52: {  	_ =	shalt  }
0x53: {  	_ =	shalt  }
0x54: {  	_ =	shalt  }
0x55: {  	_ =	shalt  }
0x56: {  	_ =	shalt  }
0x57: {  	_ =	shalt  }
0x58: {  	_ =	shalt  }
0x59: {  	_ =	shalt  }
0x5a: {  	_ =	shalt  }
0x5b: {  	_ =	shalt  }
0x5c: {  	_ =	shalt  }
0x5d: {  	_ =	shalt  }
0x5e: {  	_ =	shalt  }
0x5f: {  	_ =	shalt  }
0x60: {  	_ =	shalt  }
0x61: {  	_ =	shalt  }
0x62: {  	_ =	shalt  }
0x63: {  	_ =	shalt  }
0x64: {  	_ =	shalt  }
0x65: {  	_ =	shalt  }
0x66: {  	_ =	shalt  }
0x67: {  	_ =	shalt  }
0x68: {  	_ =	shalt  }
0x69: {  	_ =	shalt  }
0x6a: {  	_ =	shalt  }
0x6b: {  	_ =	shalt  }
0x6c: {  	_ =	shalt  }
0x6d: {  	_ =	shalt  }
0x6e: {  	_ =	shalt  }
0x6f: {  	_ =	shalt  }
0x70: {  	_ =	shalt  }
0x71: {  	_ =	shalt  }
0x72: {  	_ =	shalt  }
0x73: {  	_ =	shalt  }
0x74: {  	_ =	shalt  }
0x75: {  	_ =	shalt  }
0x76: {  	_ =	shalt  }
0x77: {  	_ =	shalt  }
0x78: {  	_ =	shalt  }
0x79: {  	_ =	shalt  }
0x7a: {  	_ =	shalt  }
0x7b: {  	_ =	shalt  }
0x7c: {  	_ =	shalt  }
0x7d: {  	_ =	shalt  }
0x7e: {  	_ =	shalt  }
0x7f: {  	_ =	shalt  }
0x80: {  	_ =	shalt  }
0x81: {  	_ =	shalt  }
0x82: {  	_ =	shalt  }
0x83: {  	_ =	shalt  }
0x84: {  	_ =	shalt  }
0x85: {  	_ =	shalt  }
0x86: {  	_ =	shalt  }
0x87: {  	_ =	shalt  }
.Lfunc_end0:
.L_simem_size_0:
called_computation_lowered:
.L_overlay_start_0:
0x88: {  	s2 =	sld [smem:$0x3FD9]  }
0x89: {  	s3 =	sld [smem:$0x3FFE];
	_ =	sdelay $0x1  }
0x8a: {  	s1 =	srdreg.scid  }
0x8b: {  	s0 =	sand.u32 $0x1, s1  }
0x8c: {  	s17 =	sshll.u32 s0, $0xA;
	s2 =	sadd.s32 s3, s2  }
0x8d: {  	s2 =	sadd.s32 s2, s17  }
0x8e: {  	[smem:$0x3FBE] =	sst s2  }
0x8f: {  	_ = 	snop  }
0x90: {  	s2 =	sld [smem:$0x3FD0];
	(tm) =	ssettm $0x1  }
0x91: {  	s18 =	sld [smem:$0x3FFB];
	_ =	sdelay $0x3  }
0x92: {  	_ =	strace s18  }
0x93: {  	s3 =	sld [smem:$0x3FFC];
	_ =	sdelay $0x3  }
0x94: {  	_ =	strace s3  }
0x95: {  	s3 =	sld [smem:$0x3FFD];
	_ =	sdelay $0x3  }
0x96: {  	_ =	strace s3  }
0x97: {  	_ =	strace $0x8FFFFFFF  }
0x98: {  	s19 =	sld [smem:$0x3FDB];
	_ =	sdelay $0x1  }
0x99: {  	s4 =	simm.s32 $_scs_section_size  }
0x9a: {  	s5 =	simm.s32 $_size__tile_overlayer_lowered;
	s6 =	simm.s32 $_tile_overlayer_lowered  }
0x9b: {  	s22 =	simm.s32 $0x1BFF;
	s21 =	sshll.u32 s6, $0x1;
	s3 =	sadd.s32 s4, s19  }
0x9c: {  	s7 =	simm.s32 $0x0;
	s20 =	sshll.u32 s5, $0x1;
	s5 =	sadd.s32 s21, s3  }
0x9d: {  	[timem:s7], [sflag:s22] =	dma.local [hbm:s5], s20  }
0x9e: {  	_ =	swait.ge [sflag:s22], s20  }
0x9f: {  	s4 =	ssub.s32 $0x0, s20;
	[sflag:s22] =	ssyncset.done $0x0  }
0xa0: {  	[sflag:s22] =	ssyncadd.s32 s4;
	_ =	sdelay $0x1  }
0xa1: {  	s23 =	simm.s32 $0x1B8B  }
0xa2: {  	_ =	swait.ge [sflag:s23], $0x1  }
0xa3: {  	[sflag:s23] =	ssyncset.done $0x0  }
0xa4: {  	s25 =	simm.s32 $0x1B8E;
	s24 =	sld [smem:$0x3FFE];
	[sflag:s23] =	ssyncadd.s32 $0xFFFFFFFF  }
0xa5: {  	s26 =	simm.s32 $execute0_lowered;
	[smem:$0x3FD2] =	sst s25  }
0xa6: {  	s5 =	sshll.u32 s26, $0x1;
	_ =	strace $0x80000046;
	[dreg:$0x1] =	wrdreg $0xFFFFFFFF  }
0xa7: {  	s28 =	simm.s32 $_size_execute0_lowered;
	s3 =	sadd.s32 s3, s5;
	[dreg:$0x0] =	wrdreg $0x0  }
0xa8: {  	s5 =	sshll.u32 s28, $0x1;
	[dreg:$0x2] =	wrdreg s3  }
0xa9: {  	[dreg:$0x3] =	wrdreg s5  }
0xaa: {  	[dreg:$0x4] =	wrdreg $0xC0  }
0xab: {  	_ =	task [dreg:s7], $0x5FFFF  }
0xac: {  	[dreg:$0x1] =	wrdreg $0xFFFFFFFF  }
0xad: {  	[dreg:$0x0] =	wrdreg $0x60  }
0xae: {  	[dreg:$0x2] =	wrdreg s24  }
0xaf: {  	[dreg:$0x3] =	wrdreg s2  }
0xb0: {  	[dreg:$0x4] =	wrdreg $0xB1700  }
0xb1: {  	[dreg:$0x5] =	wrdreg $0x9  }
0xb2: {  	_ =	task.clear_ibuf [dreg:s7], $0x6FFFF;
	_ =	strace $0x90000046  }
0xb3: {  	s29 =	simm.s32 $0x9;
	_ =	strace $0x80000048  }
0xb4: {  	_ =	swait.ge [sflag:s29], $0x1  }
0xb5: {  	[sflag:s29] =	ssyncadd.s32 $0xFFFFFFFF  }
0xb6: {  	_ =	strace $0x90000048  }
0xb7: {  	_ =	sfence  }
0xb8: {  	s30 =	sld [smem:$0x0];
	_ =	sdelay $0x2  }
0xb9: {  	s31 =	sshll.u32 s1, $0xD;
	s1 =	sshrl.u32 s1, $0x2  }
0xba: {  	s3 =	sand.u32 $0x4000, s31;
	s1 =	sadd.s32 s1, s30  }
0xbb: {  	s0 =	sor.u32 s3, s0;
	s1 =	sshll.u32 s1, $0x11  }
0xbc: {  	s0 =	sor.u32 s1, s0  }
0xbd: {  	s0 =	sadd.s32 $0x8F2B, s0  }
0xbe: {  	[sflag:s0] =	ssyncadd.remote.s32 $0x1  }
0xbf: {  	_ =	sfence.sel $0xFFFF  }
0xc0: {  	[dreg:$0x0] =	wrdreg $0xFFFFFFFF;
	(pc) =	sbr.abs _section_cstart, $3  }
0xc1: {  	[dreg:$0x1] =	wrdreg $0xFFFFFFFF  }
0xc2: {  	_ =	task.clear_ibuf [dreg:s7], $0x2FFFF;
	_ =	strace $0x9FFFFFFF  }
0xc3: {  	(tm) =	ssettm $0x7FFFFFFF  }
tec
execute0_lowered:
.L_overlay_start_1:
0x0: {  	(tag) =	ssettag $0x1  }
0x1: {  	s8 =	rddreg [dreg:$0x0]  }
0x2: {  	s2 =	rddreg [dreg:$0x1]  }
0x3: {  	s0 =	srdreg.scid;
	s3 =	rddreg [dreg:$0x2];
	s4 =	simm.s32 $0x0  }
0x4: {  	s16 =	simm.s32 $0x3;
	s17 =	simm.s32 $0x8000;
	s18 =	simm.s32 $0x2800  }
0x5: {  	s19 =	simm.s32 $0x80;
	s20 =	simm.s32 $0x5000;
	s21 =	simm.s32 $0x7800  }
0x6: {  	s22 =	simm.s32 $0x1;
	s7 =	sand.u32 $0x1, s0;
	s0 =	stileid.u32  }
0x7: {  	s23 =	simm.s32 $0x2;
	[smem:$0x7FF] =	sst s4;
	s10 =	smul.u32 $0xC580, s0  }
0x8: {  	s5 =	sadd.s32 $0x600, s8;
	s1 =	sshll.u32 s7, $0x4;
	s11 =	smul.u32 $0xC5800, s7  }
0x9: {  	s12 =	smul.u32 $0x31600, s0;
	s7 =	ssub.s32 $0x2, s7;
	s1 =	sor.u32 s0, s1  }
0xa: {  	s6 =	sadd.s32 $0x18E00, s8;
	s31 =	sshrl.u32 s7, $0x1;
	s9 =	smul.u32 $0x500, s1  }
0xb: {  	s1 =	rddreg [dreg:$0x3];
	_ =	strace $0x80000047;
	s29 =	sadd.s32 s10, s11  }
0xc: {  	s30 =	sshrl.u32 s12, $0x2;
	s15 =	ssub.s32 s7, s31;
	s7 =	sadd.s32 s10, s3  }
0xd: {  	s11 =	sadd.s32 s30, s3;
	s13 =	sadd.s32 s9, s8;
	s9 =	sshrl.u32 s29, $0x3  }
0xe: {  	v0 =	vimm.f32 $0.0e+00;
	v3 =	vlaneseq.u32;
	s10 =	sadd.s32 $0x9420, s11;
	s14 =	sadd.s32 s9, s8;
	s8 =	sadd.s32 $0x3160, s11  }
0xf: {  	v1 =	vand.u32 $0x7, v3;
	v2 =	vor.u32 $0x8, v3;
	v3 =	vshrl.u32 v3, $0x3;
	s9 =	sadd.s32 $0x62C0, s11;
	s11 =	sadd.s32 $0x1DE00, s13;
	s12 =	sadd.s32 $0x27E00, s13  }
0x10: {  	v4 =	vor.u32 $0x2, v3;
	v5 =	vor.u32 $0x4, v3;
	v6 =	vor.u32 $0x6, v3;
	s13 =	sadd.s32 $0x31E00, s14;
	s14 =	smax.u32 s15, $0x1;
	s15 =	simm.s32 $0x8010  }
.LBB2_1:
0x11: {  	s25 =	simm.s32 $0x240;
	s24 =	simm.s32 $0x40  }
.LBB2_2:
0x12: {  	p0 =	sne.s32 s25, $0xC540;
	[tilespmem:s24+$0x8010] =	vst v0;
	s26 =	smov.u32 s25;
	s25 =	sadd.s32 $0x140, s25  }
.Ltmp0:
0x13: {  	[tilespmem:s24+$0x8000] =	vst v0;
	(pc) =	sbr.rel @p0 .LBB2_2-.Ltmp0, $4  }
0x14: {  	[tilespmem:s24+$0x7FF0] =	vst v0  }
0x15: {  	[tilespmem:s24+$0x7FD0] =	vst v0  }
0x16: {  	[tilespmem:s24+$0x7FE0] =	vst v0  }
0x17: {  	s24 =	sshra.s32 s26, $0x2  }
0x18: {  	[tilespmem:s24+$0x8010] =	vst v0  }
0x19: {  	[tilespmem:s24+$0x8000] =	vst v0  }
0x1a: {  	[tilespmem:s24+$0x7FF0] =	vst v0  }
0x1b: {  	[tilespmem:s24+$0x7FD0] =	vst v0  }
0x1c: {  	[tilespmem:s24+$0x7FE0] =	vst v0  }
0x1d: {  	[spmem:s7] =	stream.linear.scatter [tilespmem:s15], [sflag:$0x3], $0x3160, $0x38;
	[tilespmem:$0x176F0] =	vst v63  }
0x1e: {  	_ =	swait.ge [sflag:s16], $0x3160  }
0x1f: {  	[sflag:s16] =	ssyncset.done $0x0  }
0x20: {  	[sflag:s16] =	ssyncadd.s32 $0xFFFFCEA0  }
0x21: {  	[spmem:s8] =	stream.linear.scatter [tilespmem:s15], [sflag:$0x3], $0x3160, $0x38;
	[tilespmem:$0x176F0] =	vst v63  }
0x22: {  	_ =	swait.ge [sflag:s16], $0x3160  }
0x23: {  	[sflag:s16] =	ssyncset.done $0x0  }
0x24: {  	[sflag:s16] =	ssyncadd.s32 $0xFFFFCEA0  }
0x25: {  	[spmem:s9] =	stream.linear.scatter [tilespmem:s15], [sflag:$0x3], $0x3160, $0x38;
	[tilespmem:$0x176F0] =	vst v63  }
0x26: {  	_ =	swait.ge [sflag:s16], $0x3160  }
0x27: {  	[sflag:s16] =	ssyncset.done $0x0  }
0x28: {  	[sflag:s16] =	ssyncadd.s32 $0xFFFFCEA0  }
0x29: {  	[spmem:s10] =	stream.linear.scatter [tilespmem:s15], [sflag:$0x3], $0x3160, $0x38;
	[tilespmem:$0x176F0] =	vst v63  }
0x2a: {  	_ =	swait.ge [sflag:s16], $0x3160  }
0x2b: {  	[sflag:s16] =	ssyncset.done $0x0  }
0x2c: {  	s24 =	simm.s32 $0x0;
	[sflag:s16] =	ssyncadd.s32 $0xFFFFCEA0  }
0x2d: {  	[tilespmem:s17], [sflag:$0x3] =	stream.linear.gather [hbm4b:s2+s24], $0x10, $0x38;
	[tilespmem:$0x176F0] =	vst v63  }
0x2e: {  	_ =	swait.ge [sflag:s16], $0x10  }
0x2f: {  	[sflag:s16] =	ssyncset.done $0x0  }
0x30: {  	[sflag:s16] =	ssyncadd.s32 $0xFFFFFFF0  }
0x31: {  	[tilespmem:s24], [sflag:$0x3] =	stream.linear.gather [hbm4b:s11+s24], $0x2800, $0x38;
	[tilespmem:$0x176F0] =	vst v63  }
0x32: {  	_ =	swait.ge [sflag:s16], $0x2800  }
0x33: {  	[sflag:s16] =	ssyncset.done $0x0  }
0x34: {  	[sflag:s16] =	ssyncadd.s32 $0xFFFFD800  }
0x35: {  	[tilespmem:s18], [sflag:$0x3] =	stream.linear.gather [hbm4b:s12+s24], $0x2800, $0x38;
	[tilespmem:$0x176F0] =	vst v63  }
0x36: {  	_ =	swait.ge [sflag:s16], $0x2800  }
0x37: {  	[sflag:s16] =	ssyncset.done $0x0  }
0x38: {  	[sflag:s16] =	ssyncadd.s32 $0xFFFFD800  }
0x39: {  	v7 =	vld [tilespmem:$0x8000];
	[bflag:$0x0] =	sbarrier.arrive $0xFFFF  }
.LBB2_4:
0x3a: {  	s25 =	sshll.u32 s24, $0x7  }
0x3b: {  	[tilespmem:s20], [sflag:$0x1] =	stream.indirect.gather [hbm4b:s5+s19], $0x50, s25, s19, $0xb8;
	[tilespmem:$0x176F0] =	vst v63  }
0x3c: {  	s25 =	sadd.s32 $0x2800, s25  }
0x3d: {  	[tilespmem:s21], [sflag:$0x2] =	stream.indirect.gather [hbm4b:s6+s19], $0x10, s25, s19, $0xb8;
	[tilespmem:$0x176F0] =	vst v63  }
0x3e: {  	_ =	swait.ge [sflag:s22], $0x2800  }
0x3f: {  	[sflag:s22] =	ssyncset.done $0x0  }
0x40: {  	[sflag:s22] =	ssyncadd.s32 $0xFFFFD800  }
0x41: {  	_ =	swait.ge [sflag:s23], $0x800  }
0x42: {  	[sflag:s23] =	ssyncset.done $0x0  }
0x43: {  	s26 =	simm.s32 $0x5020;
	[sflag:s23] =	ssyncadd.s32 $0xFFFFF800  }
0x44: {  	s30 =	simm.s32 $0x0;
	s29 =	simm.s32 $0x40;
	s28 =	simm.s32 $0x5020;
	v8 =	vld [tilespmem:s26+$0x20]  }
.LBB2_5:
0x45: {  	p0 =	sne.s32 s29, $0x1FC0;
	v9 =	vld [tilespmem:s30+$0x7800];
	_ =	sdelay $0x4  }
0x46: {  	v8 =	vperm.xlane v8, v1;
	v9 =	vperm.xlane v9, v2;
	_ =	sdelay $0x1  }
0x47: {  	v8 =	vadd.f32 v9, v8;
	_ =	sdelay $0x1  }
0x48: {  	v9 =	vmul.f32 $2.000000030e-01, v8  }
0x49: {  	vm0 =	vgt.f32 v8, $0.0e+00  }
0x4a: {  	v8 =	vsel vm0, v8, v9  }
0x4b: {  	v8 =	vsub.f32 v8, v7;
	_ =	sdelay $0x1  }
0x4c: {  	v8 =	vmul.f32 $1.442695020e+00, v8;
	_ =	sdelay $0x1  }
0x4d: {  	(erf) = vpow2.f32 v8;
	_ =	sdelay $0x4  }
0x4e: {  	v8 =	vld [tilespmem:s26+$0xFFFFFFF0]  }
0x4f: {  	v9 =	vld [tilespmem:s26+$0x10]  }
0x50: {  	v10 =	vld [tilespmem:s26+$0x0]  }
0x51: {  	v11 =	vld [tilespmem:s26+$0xFFFFFFE0]  }
0x52: {  	v12 =	vpop (erf)  }
0x53: {  	[tilespmem:s26+$0x20] =	vst v12;
	v13 =	vperm.xlane v12, v5;
	v14 =	vperm.xlane v12, v6  }
0x54: {  	v15 =	vperm.xlane v12, v3;
	v12 =	vperm.xlane v12, v4  }
0x55: {  	v10 =	vmul.f32 v10, v13;
	v9 =	vmul.f32 v9, v14  }
.Ltmp1:
0x56: {  	v8 =	vmul.f32 v8, v12;
	v11 =	vmul.f32 v11, v15;
	(pc) =	sbr.rel @p0 .LBB2_5-.Ltmp1, $4  }
0x57: {  	[tilespmem:s26+$0x10] =	vst v9  }
0x58: {  	[tilespmem:s26+$0x0] =	vst v10  }
0x59: {  	s26 =	sadd.s32 $0x50, s26;
	[tilespmem:s28+$0xFFFFFFF0] =	vst v8  }
0x5a: {  	s30 =	sshra.s32 s29, $0x2;
	s29 =	sadd.s32 $0x40, s29;
	v8 =	vld [tilespmem:s26+$0x20];
	[tilespmem:s28+$0xFFFFFFE0] =	vst v11;
	s28 =	smov.u32 s26  }
0x5b: {  	v9 =	vld [tilespmem:s30+$0x7800];
	_ =	sdelay $0x4  }
0x5c: {  	v8 =	vperm.xlane v8, v1;
	v9 =	vperm.xlane v9, v2;
	_ =	sdelay $0x1  }
0x5d: {  	v8 =	vadd.f32 v9, v8;
	_ =	sdelay $0x1  }
0x5e: {  	v9 =	vmul.f32 $2.000000030e-01, v8  }
0x5f: {  	vm0 =	vgt.f32 v8, $0.0e+00  }
0x60: {  	v8 =	vsel vm0, v8, v9  }
0x61: {  	v8 =	vsub.f32 v8, v7;
	_ =	sdelay $0x1  }
0x62: {  	v8 =	vmul.f32 $1.442695020e+00, v8;
	_ =	sdelay $0x1  }
0x63: {  	(erf) = vpow2.f32 v8;
	_ =	sdelay $0x6  }
0x64: {  	v8 =	vld [tilespmem:s26+$0x10]  }
0x65: {  	v63 =	vld [tilespmem:s26+$0x0]  }
0x66: {  	v10 =	vld [tilespmem:s26+$0xFFFFFFF0];
	v11 =	vpop (erf)  }
0x67: {  	v12 =	vld [tilespmem:s26+$0xFFFFFFE0];
	v13 =	vperm.xlane v11, v6  }
0x68: {  	v14 =	vperm.xlane v11, v5  }
0x69: {  	v15 =	vperm.xlane v11, v4;
	v8 =	vmul.f32 v8, v13  }
0x6a: {  	[tilespmem:s26+$0x20] =	vst v11;
	v11 =	vperm.xlane v11, v3;
	v9 =	vmul.f32 v63, v14  }
0x6b: {  	v10 =	vmul.f32 v10, v15;
	[tilespmem:s26+$0x10] =	vst v8  }
0x6c: {  	s24 =	sadd.s32 $0x1, s24;
	v8 =	vmul.f32 v12, v11;
	[tilespmem:s26+$0x0] =	vst v9  }
0x6d: {  	p0 =	sne.s32 s24, $0x50;
	[tilespmem:s28+$0xFFFFFFF0] =	vst v10  }
.Ltmp2:
0x6e: {  	[tilespmem:s28+$0xFFFFFFE0] =	vst v8;
	(pc) =	sbr.rel @p0 .LBB2_4-.Ltmp2, $4  }
0x6f: {  	[spmem:s3] =	stream.indirect.scatter.add.f32 [tilespmem:s20], [sflag:$0x3], $0x50, s25, s19, $0xb8;
	[tilespmem:$0x176F0] =	vst v63  }
0x70: {  	_ =	swait.ge [sflag:s16], $0x2800  }
0x71: {  	[sflag:s16] =	ssyncset.done $0x0  }
0x72: {  	[sflag:s16] =	ssyncadd.s32 $0xFFFFD800  }
0x73: {  	s4 =	sadd.s32 $0x1, s4  }
0x74: {  	s24 =	sshll.u32 s0, $0x6;
	[bflag:$0x0] =	sbarrier.arrive $0xFFFF;
	p0 =	sne.s32 s4, s14  }
.Ltmp3:
0x75: {  	s25 =	sshrl.u32 s7, $0x3;
	s24 =	sor.u32 $0x1C03, s24;
	(pc) =	sbr.rel @p0 .LBB2_1-.Ltmp3, $4  }
0x76: {  	[hbm:s13], [sflag:s24] =	dma.local [spmem:s25], $0x18B0  }
0x77: {  	_ =	swait.ge [sflag:s16], $0x18B0  }
0x78: {  	[sflag:s16] =	ssyncset.done $0x0  }
0x79: {  	[sflag:s16] =	ssyncadd.s32 $0xFFFFE750  }
0x7a: {  	_ =	sfence.sel $0x180000  }
0x7b: {  	[bflag:$0x0] =	sbarrier.arrive $0xFFFF  }
0x7c: {  	p0 =	sne.s32 s0, $0x0;
	_ =	strace $0x90000047  }
0x7d: {  	s0 =	sadd.s32 @!p0 $0x100000, s1;
	[bflag:$0x2] =	sbarrier.arrive $0xFFFF  }
0x7e: {  	[sflag:s0] =	ssyncadd.tile.s32 @!p0 $0x1;
	_ =	shalt  }
.Lfunc_end2:
_tile_overlayer_lowered:
.L_overlay_start_2:
0x7f: {  	(tag) =	ssettag $0x2  }
0x80: {  	s0 =	rddreg [dreg:$0x0];
	s2 =	stileid.u32  }
0x81: {  	s1 =	rddreg [dreg:$0x1];
	p0 =	sne.s32 s2, $0x0  }
0x82: {  	s3 =	rddreg [dreg:$0x2];
	[bflag:$0x3] =	sbarrier.arrive $0xFFFF;
	s2 =	simm.s32 @!p0 $0x1C03  }
0x83: {  	[timem:s3], [sflag:s2] =	dma.local @!p0 [hbm:s0], s1  }
0x84: {  	s0 =	simm.s32 @!p0 $0x3  }
0x85: {  	_ =	swait.ge @!p0 [sflag:s0], s1  }
0x86: {  	s1 =	ssub.s32 @!p0 $0x0, s1;
	[sflag:s0] =	ssyncset.done @!p0 $0x0  }
0x87: {  	[sflag:s0] =	ssyncadd.s32 @!p0 s1  }
0x88: {  	[bflag:$0x3] =	sbarrier.arrive $0xFFFF  }
0x89: {  	_ =	shalt  }

</sc_bundles>
